<compile_context>
chip_gen: v7x
topology: tpu7x:2x2x1
jax: 0.10.2.dev20260603
libtpu: 0.0.44.dev20260713+nightly
codegen_flags: <defaults>
</compile_context>

<pallas_src>
import functools

import jax
import jax.numpy as jnp
from jax import lax
from jax.experimental import pallas as pl
from jax.experimental.pallas import tpu as pltpu
from jax.experimental.pallas import tpu_sc as plsc

N_NODES = 10000
N_EDGES = 320000
D = 128
DH = D // 2

NC = 2
NS = 16
CHUNK = 128
CHUNKS = 157
E_PAD = NS * CHUNKS * CHUNK
ROWS_PAD = 10112
ROWS_PER_TILE = ROWS_PAD // NS
DUMMY_DST = N_NODES

NBUF = 5


def _sc_body(feat_lr, srcp, dstp, zrows, zdeg, ones_in,
             psum, pdeg,
             src_v, dst_v, rows_v, ones_v, acc_s, dacc_s, sem_g, sem_s, sem_d):
    c = lax.axis_index("c")
    s = lax.axis_index("s")
    base = s * ROWS_PER_TILE

    pltpu.sync_copy(srcp.at[s], src_v)
    pltpu.sync_copy(dstp.at[s], dst_v)

    def xform(j, carry):
        for k in range(CHUNK // 16):
            sl = pl.ds(k * 16, 16)
            src_v[j, sl] = src_v[j, sl] * 2 + c
        return carry

    lax.fori_loop(0, CHUNKS, xform, 0)
    pltpu.sync_copy(ones_in, ones_v)
    pltpu.sync_copy(zrows, acc_s.at[pl.ds(base, ROWS_PER_TILE)])
    pltpu.sync_copy(zdeg, dacc_s.at[pl.ds(base, ROWS_PER_TILE)])
    plsc.subcore_barrier()

    def gather_start(j):
        pltpu.make_async_copy(feat_lr.at[src_v.at[j]],
                              rows_v.at[lax.rem(j, NBUF)], sem_g).start()

    def scatter_desc(j):
        return pltpu.make_async_copy(rows_v.at[lax.rem(j, NBUF)],
                                     acc_s.at[dst_v.at[j]], sem_s)

    def deg_desc(j):
        return pltpu.make_async_copy(ones_v, dacc_s.at[dst_v.at[j]], sem_d)

    gather_start(0)
    gather_start(1)
    gather_start(2)

    def body(j, carry):
        buf = lax.rem(j, NBUF)
        pltpu.make_async_copy(feat_lr.at[src_v.at[j]], rows_v.at[buf], sem_g).wait()

        @pl.when(j >= 2)
        def _():
            scatter_desc(j - 2).wait()

        scatter_desc(j).start(add=True)

        @pl.when(lax.rem(j, 2) == c)
        def _():
            @pl.when(j >= 2)
            def _():
                deg_desc(j - 2).wait()
            deg_desc(j).start(add=True)

        @pl.when(j + 3 < CHUNKS)
        def _():
            gather_start(j + 3)

        return carry

    lax.fori_loop(0, CHUNKS, body, 0)
    scatter_desc(CHUNKS - 2).wait()
    scatter_desc(CHUNKS - 1).wait()
    deg_desc(CHUNKS - 1 - c).wait()
    plsc.subcore_barrier()

    pltpu.sync_copy(acc_s.at[pl.ds(base, ROWS_PER_TILE)],
                    psum.at[c, pl.ds(base, ROWS_PER_TILE)])
    pltpu.sync_copy(dacc_s.at[pl.ds(base, ROWS_PER_TILE)],
                    pdeg.at[c, pl.ds(base, ROWS_PER_TILE)])


_sc_aggregate = functools.partial(
    pl.kernel,
    out_type=(
        jax.ShapeDtypeStruct((NC, ROWS_PAD, DH), jnp.bfloat16),
        jax.ShapeDtypeStruct((NC, ROWS_PAD, 8), jnp.float32),
    ),
    mesh=plsc.VectorSubcoreMesh(core_axis_name="c", subcore_axis_name="s"),
    compiler_params=pltpu.CompilerParams(use_tc_tiling_on_sc=False),
    scratch_types=[
        pltpu.VMEM((CHUNKS, CHUNK), jnp.int32),
        pltpu.VMEM((CHUNKS, CHUNK), jnp.int32),
        pltpu.VMEM((NBUF, CHUNK, DH), jnp.bfloat16),
        pltpu.VMEM((CHUNK, 8), jnp.float32),
        pltpu.VMEM_SHARED((ROWS_PAD, DH), jnp.bfloat16),
        pltpu.VMEM_SHARED((ROWS_PAD, 8), jnp.float32),
        pltpu.SemaphoreType.DMA,
        pltpu.SemaphoreType.DMA,
        pltpu.SemaphoreType.DMA,
    ],
)(_sc_body)


ROW_BLK = 2000


def _finish_body(feat_ref, psum_ref, pdeg_ref, wnT_ref, wsT_ref, b_ref, out_ref):
    deg = pdeg_ref[0, :, 0:1] + pdeg_ref[1, :, 0:1]
    pos = deg > 0
    inv = 1.0 / jnp.maximum(deg, 1.0)
    hL = jnp.where(pos, psum_ref[0].astype(jnp.float32) * inv, 0.0)
    hR = jnp.where(pos, psum_ref[1].astype(jnp.float32) * inv, 0.0)
    out_ref[...] = (
        jnp.dot(feat_ref[...], wsT_ref[...], preferred_element_type=jnp.float32)
        + b_ref[...]
        + jnp.dot(hL, wnT_ref[0:DH], preferred_element_type=jnp.float32)
        + jnp.dot(hR, wnT_ref[DH:D], preferred_element_type=jnp.float32)
    )


def _finish(feat, psum, pdeg, W_neigh, W_self, b_self):
    grid = (N_NODES // ROW_BLK,)
    return pl.pallas_call(
        _finish_body,
        grid=grid,
        in_specs=[
            pl.BlockSpec((ROW_BLK, D), lambda i: (i, 0)),
            pl.BlockSpec((NC, ROW_BLK, DH), lambda i: (0, i, 0)),
            pl.BlockSpec((NC, ROW_BLK, 8), lambda i: (0, i, 0)),
            pl.BlockSpec((D, D), lambda i: (0, 0)),
            pl.BlockSpec((D, D), lambda i: (0, 0)),
            pl.BlockSpec((1, D), lambda i: (0, 0)),
        ],
        out_specs=pl.BlockSpec((ROW_BLK, D), lambda i: (i, 0)),
        out_shape=jax.ShapeDtypeStruct((N_NODES, D), jnp.float32),
    )(feat, psum, pdeg, W_neigh.T, W_self.T, b_self.reshape(1, D))


def kernel(feat, edge_index, W_neigh, W_self, b_self):
    src = edge_index[0].astype(jnp.int32)
    dst = edge_index[1].astype(jnp.int32)
    pad = E_PAD - N_EDGES
    srcp = jnp.concatenate([src, jnp.zeros((pad,), jnp.int32)]).reshape(NS, CHUNKS, CHUNK)
    dstp = jnp.concatenate([dst, jnp.full((pad,), DUMMY_DST, jnp.int32)]).reshape(NS, CHUNKS, CHUNK)
    feat_lr = feat.astype(jnp.bfloat16).reshape(2 * N_NODES, DH)
    zrows = jnp.zeros((ROWS_PER_TILE, DH), jnp.bfloat16)
    zdeg = jnp.zeros((ROWS_PER_TILE, 8), jnp.float32)
    ones_in = jnp.ones((CHUNK, 8), jnp.float32)

    psum, pdeg = _sc_aggregate(feat_lr, srcp, dstp, zrows, zdeg, ones_in)
    return _finish(feat, psum, pdeg, W_neigh, W_self, b_self)

# --- scband reference (transcript-rebuilt; emitter-appended) ---
"""Pipeline reference for scband-sageconv-5214090297415 (READ-ONLY COPY).

The authoritative reference and input builder live on the scoring server;
editing this copy changes nothing except your own understanding.
"""

import jax, jax.numpy as jnp
import numpy as np

N_NODES = 10000
N_EDGES = 320000
D_IN = 128
D_OUT = 128

def setup_inputs(seed: int = 0) -> dict:
    key = jax.random.key(seed)
    k1, k2, k3, k4, k5 = jax.random.split(key, 5)
    feat = jax.random.normal(k1, (N_NODES, D_IN), dtype=jnp.float32)
    edge_index = jax.random.randint(k2, (2, N_EDGES), 0, N_NODES, dtype=jnp.int64)
    # learned parameters (xavier-uniform-like init, gain for relu)
    gain = float(np.sqrt(2.0))
    bound_neigh = gain * float(np.sqrt(6.0 / (D_IN + D_OUT)))
    W_neigh = jax.random.uniform(k3, (D_OUT, D_IN), minval=-bound_neigh, maxval=bound_neigh, dtype=jnp.float32)
    bound_self = gain * float(np.sqrt(6.0 / (D_IN + D_OUT)))
    W_self = jax.random.uniform(k4, (D_OUT, D_IN), minval=-bound_self, maxval=bound_self, dtype=jnp.float32)
    b_self = jnp.zeros((D_OUT,), dtype=jnp.float32)
    return {"feat": feat, "edge_index": edge_index, "W_neigh": W_neigh, "W_self": W_self, "b_self": b_self}

def reference(feat, edge_index, W_neigh, W_self, b_self):
    # SAGEConv with aggregator_type='mean', feat_drop=0 (identity at eval),
    # lin_before_mp = (in_feats > out_feats) = (128 > 128) = False,
    # so message passing happens on raw features, then fc_neigh.
    src = edge_index[0]
    dst = edge_index[1]
    n = feat.shape[0]
    h_self = feat
    # copy_u('h','m') then fn.mean('m','neigh'): mean of incoming messages per dst node,
    # zero for nodes with no incoming edges (DGL convention).
    msgs = jnp.take(feat, src, axis=0)
    summed = jax.ops.segment_sum(msgs, dst, num_segments=n)
    deg = jax.ops.segment_sum(jnp.ones((msgs.shape[0],), dtype=feat.dtype), dst, num_segments=n)
    h_neigh = jnp.where(deg[:, None] > 0, summed / jnp.maximum(deg, 1.0)[:, None], 0.0)
    # fc_neigh (no bias)
    h_neigh = h_neigh @ W_neigh.T
    # fc_self (with bias) + neighbor term
    rst = h_self @ W_self.T + b_self + h_neigh
    return rst

if __name__ == "__main__":
    import jax
    _d = setup_inputs()
    print(jax.jit(kernel)(*tuple(_d.values())))

</pallas_src>

<mosaic_0001>
#map = affine_map<(d0, d1) -> (0, 0)>
#map1 = affine_map<(d0, d1) -> (0, 0, 0)>
module attributes {stable_mosaic.version = 14 : i64} {
  func.func @_sc_body(%arg0: i32, %arg1: i32, %arg2: memref<20000x64xbf16, #tpu.memory_space<hbm>>, %arg3: memref<16x157x128xi32, #tpu.memory_space<hbm>>, %arg4: memref<16x157x128xi32, #tpu.memory_space<hbm>>, %arg5: memref<632x64xbf16, #tpu.memory_space<hbm>>, %arg6: memref<632x8xf32, #tpu.memory_space<hbm>>, %arg7: memref<128x8xf32, #tpu.memory_space<hbm>>, %arg8: memref<2x10112x64xbf16, #tpu.memory_space<hbm>>, %arg9: memref<2x10112x8xf32, #tpu.memory_space<hbm>>, %arg10: memref<157x128xi32, #tpu.memory_space<vmem>>, %arg11: memref<157x128xi32, #tpu.memory_space<vmem>>, %arg12: memref<5x128x64xbf16, #tpu.memory_space<vmem>>, %arg13: memref<128x8xf32, #tpu.memory_space<vmem>>, %arg14: memref<10112x64xbf16, #tpu.memory_space<vmem_shared>>, %arg15: memref<10112x8xf32, #tpu.memory_space<vmem_shared>>, %arg16: memref<!tpu.dma_semaphore, #tpu.memory_space<semaphore_mem>>, %arg17: memref<!tpu.dma_semaphore, #tpu.memory_space<semaphore_mem>>, %arg18: memref<!tpu.dma_semaphore, #tpu.memory_space<semaphore_mem>>) attributes {dimension_semantics = [#tpu.dimension_semantics<core_parallel>, #tpu.dimension_semantics<subcore_parallel>], iteration_bounds = array<i64: 2, 16>, scalar_prefetch = 0 : i64, scratch_operands = 9 : i64, tpu.core_type = #tpu.core_type<sc_vector_subcore>, window_params = [{transform_indices = #map}, {transform_indices = #map1}, {transform_indices = #map1}, {transform_indices = #map}, {transform_indices = #map}, {transform_indices = #map}, {transform_indices = #map1}, {transform_indices = #map1}]} {
    %mul3A = arith.constant 632 : i32
    %mul3A_0 = arith.muli %arg1, %mul3A : i32
    "tpu.region"() ({
      %run_scoped3A = tpu.sem_alloc : memref<!tpu.dma_semaphore, #tpu.memory_space<semaphore_mem>>
      %dma_start3A_87 = arith.constant 0 : i32
      %dma_start3A_88 = arith.constant 0 : i32
      %dma_start3A_89 = tpu.memref_slice %arg3[%arg1, %dma_start3A_87, %dma_start3A_88] : memref<16x157x128xi32, #tpu.memory_space<hbm>> -> memref<1x157x128xi32, #tpu.memory_space<hbm>>
      %dma_start3A_90 = tpu.memref_squeeze %dma_start3A_89 : memref<1x157x128xi32, #tpu.memory_space<hbm>> -> memref<157x128xi32, #tpu.memory_space<hbm>>
      %dma_start3A_91 = arith.constant 0 : i32
      %dma_start3A_92 = arith.constant 0 : i32
      %dma_start3A_93 = tpu.memref_slice %arg3[%arg1, %dma_start3A_91, %dma_start3A_92] : memref<16x157x128xi32, #tpu.memory_space<hbm>> -> memref<1x157x128xi32, #tpu.memory_space<hbm>>
      %dma_start3A_94 = tpu.memref_squeeze %dma_start3A_93 : memref<1x157x128xi32, #tpu.memory_space<hbm>> -> memref<157x128xi32, #tpu.memory_space<hbm>>
      tpu.enqueue_dma source(%dma_start3A_94 : memref<157x128xi32, #tpu.memory_space<hbm>>) target(%arg10 : memref<157x128xi32, #tpu.memory_space<vmem>>) target_semaphore(%run_scoped3A : memref<!tpu.dma_semaphore, #tpu.memory_space<semaphore_mem>>)
      %dma_wait3A_95 = arith.constant 0 : i32
      %dma_wait3A_96 = arith.constant 0 : i32
      %dma_wait3A_97 = tpu.memref_slice %arg3[%arg1, %dma_wait3A_95, %dma_wait3A_96] : memref<16x157x128xi32, #tpu.memory_space<hbm>> -> memref<1x157x128xi32, #tpu.memory_space<hbm>>
      %dma_wait3A_98 = tpu.memref_squeeze %dma_wait3A_97 : memref<1x157x128xi32, #tpu.memory_space<hbm>> -> memref<157x128xi32, #tpu.memory_space<hbm>>
      %dma_wait3A_99 = arith.constant 0 : i32
      %dma_wait3A_100 = arith.constant 0 : i32
      %dma_wait3A_101 = tpu.memref_slice %arg3[%arg1, %dma_wait3A_99, %dma_wait3A_100] : memref<16x157x128xi32, #tpu.memory_space<hbm>> -> memref<1x157x128xi32, #tpu.memory_space<hbm>>
      %dma_wait3A_102 = tpu.memref_squeeze %dma_wait3A_101 : memref<1x157x128xi32, #tpu.memory_space<hbm>> -> memref<157x128xi32, #tpu.memory_space<hbm>>
      tpu.wait_dma2 semaphore(%run_scoped3A : memref<!tpu.dma_semaphore, #tpu.memory_space<semaphore_mem>>) src(%dma_wait3A_102 : memref<157x128xi32, #tpu.memory_space<hbm>>) dst(%arg10 : memref<157x128xi32, #tpu.memory_space<vmem>>)
      tpu.yield
    }) : () -> ()
    "tpu.region"() ({
      %run_scoped3A = tpu.sem_alloc : memref<!tpu.dma_semaphore, #tpu.memory_space<semaphore_mem>>
      %dma_start3A_87 = arith.constant 0 : i32
      %dma_start3A_88 = arith.constant 0 : i32
      %dma_start3A_89 = tpu.memref_slice %arg4[%arg1, %dma_start3A_87, %dma_start3A_88] : memref<16x157x128xi32, #tpu.memory_space<hbm>> -> memref<1x157x128xi32, #tpu.memory_space<hbm>>
      %dma_start3A_90 = tpu.memref_squeeze %dma_start3A_89 : memref<1x157x128xi32, #tpu.memory_space<hbm>> -> memref<157x128xi32, #tpu.memory_space<hbm>>
      %dma_start3A_91 = arith.constant 0 : i32
      %dma_start3A_92 = arith.constant 0 : i32
      %dma_start3A_93 = tpu.memref_slice %arg4[%arg1, %dma_start3A_91, %dma_start3A_92] : memref<16x157x128xi32, #tpu.memory_space<hbm>> -> memref<1x157x128xi32, #tpu.memory_space<hbm>>
      %dma_start3A_94 = tpu.memref_squeeze %dma_start3A_93 : memref<1x157x128xi32, #tpu.memory_space<hbm>> -> memref<157x128xi32, #tpu.memory_space<hbm>>
      tpu.enqueue_dma source(%dma_start3A_94 : memref<157x128xi32, #tpu.memory_space<hbm>>) target(%arg11 : memref<157x128xi32, #tpu.memory_space<vmem>>) target_semaphore(%run_scoped3A : memref<!tpu.dma_semaphore, #tpu.memory_space<semaphore_mem>>)
      %dma_wait3A_95 = arith.constant 0 : i32
      %dma_wait3A_96 = arith.constant 0 : i32
      %dma_wait3A_97 = tpu.memref_slice %arg4[%arg1, %dma_wait3A_95, %dma_wait3A_96] : memref<16x157x128xi32, #tpu.memory_space<hbm>> -> memref<1x157x128xi32, #tpu.memory_space<hbm>>
      %dma_wait3A_98 = tpu.memref_squeeze %dma_wait3A_97 : memref<1x157x128xi32, #tpu.memory_space<hbm>> -> memref<157x128xi32, #tpu.memory_space<hbm>>
      %dma_wait3A_99 = arith.constant 0 : i32
      %dma_wait3A_100 = arith.constant 0 : i32
      %dma_wait3A_101 = tpu.memref_slice %arg4[%arg1, %dma_wait3A_99, %dma_wait3A_100] : memref<16x157x128xi32, #tpu.memory_space<hbm>> -> memref<1x157x128xi32, #tpu.memory_space<hbm>>
      %dma_wait3A_102 = tpu.memref_squeeze %dma_wait3A_101 : memref<1x157x128xi32, #tpu.memory_space<hbm>> -> memref<157x128xi32, #tpu.memory_space<hbm>>
      tpu.wait_dma2 semaphore(%run_scoped3A : memref<!tpu.dma_semaphore, #tpu.memory_space<semaphore_mem>>) src(%dma_wait3A_102 : memref<157x128xi32, #tpu.memory_space<hbm>>) dst(%arg11 : memref<157x128xi32, #tpu.memory_space<vmem>>)
      tpu.yield
    }) : () -> ()
    %scan3A = arith.constant 0 : i32
    %scan3A_1 = arith.constant 0 : i32
    %scan3A_2 = arith.constant 157 : i32
    %scan3A_3 = arith.addi %scan3A_1, %scan3A_2 : i32
    %scan3A_4 = arith.constant 1 : i32
    scf.for %scan3A_87 = %scan3A_1 to %scan3A_3 step %scan3A_4  : i32 {
      %get3A = arith.index_cast %scan3A_87 : i32 to index
      %get3A_88 = arith.constant 0 : index
      %get3A_89 = tpu.vector_load %arg10[%get3A, %get3A_88] {strides = array<i32>} : memref<157x128xi32, #tpu.memory_space<vmem>>, vector<1x16xi32>,
      %get3A_90 = vector.shape_cast %get3A_89 : vector<1x16xi32> to vector<16xi32>
      %mul3A_91 = arith.constant 2 : i32
      %mul3A_92 = vector.broadcast %mul3A_91 : i32 to vector<16xi32>
      %mul3A_93 = arith.muli %get3A_90, %mul3A_92 : vector<16xi32>
      %add3A = vector.broadcast %arg0 : i32 to vector<16xi32>
      %add3A_94 = arith.addi %mul3A_93, %add3A : vector<16xi32>
      %swap3A = arith.index_cast %scan3A_87 : i32 to index
      %swap3A_95 = arith.constant 0 : index
      %swap3A_96 = tpu.vector_load %arg10[%swap3A, %swap3A_95] {strides = array<i32>} : memref<157x128xi32, #tpu.memory_space<vmem>>, vector<1x16xi32>,
      %swap3A_97 = vector.shape_cast %swap3A_96 : vector<1x16xi32> to vector<16xi32>
      %swap3A_98 = vector.shape_cast %add3A_94 : vector<16xi32> to vector<1x16xi32>
      tpu.vector_store %arg10[%swap3A, %swap3A_95], %swap3A_98 {strides = array<i32>} : memref<157x128xi32, #tpu.memory_space<vmem>>, vector<1x16xi32>,
      %get3A_99 = arith.index_cast %scan3A_87 : i32 to index
      %get3A_100 = arith.constant 16 : index
      %get3A_101 = tpu.vector_load %arg10[%get3A_99, %get3A_100] {strides = array<i32>} : memref<157x128xi32, #tpu.memory_space<vmem>>, vector<1x16xi32>,
      %get3A_102 = vector.shape_cast %get3A_101 : vector<1x16xi32> to vector<16xi32>
      %mul3A_103 = arith.constant 2 : i32
      %mul3A_104 = vector.broadcast %mul3A_103 : i32 to vector<16xi32>
      %mul3A_105 = arith.muli %get3A_102, %mul3A_104 : vector<16xi32>
      %add3A_106 = vector.broadcast %arg0 : i32 to vector<16xi32>
      %add3A_107 = arith.addi %mul3A_105, %add3A_106 : vector<16xi32>
      %swap3A_108 = arith.index_cast %scan3A_87 : i32 to index
      %swap3A_109 = arith.constant 16 : index
      %swap3A_110 = tpu.vector_load %arg10[%swap3A_108, %swap3A_109] {strides = array<i32>} : memref<157x128xi32, #tpu.memory_space<vmem>>, vector<1x16xi32>,
      %swap3A_111 = vector.shape_cast %swap3A_110 : vector<1x16xi32> to vector<16xi32>
      %swap3A_112 = vector.shape_cast %add3A_107 : vector<16xi32> to vector<1x16xi32>
      tpu.vector_store %arg10[%swap3A_108, %swap3A_109], %swap3A_112 {strides = array<i32>} : memref<157x128xi32, #tpu.memory_space<vmem>>, vector<1x16xi32>,
      %get3A_113 = arith.index_cast %scan3A_87 : i32 to index
      %get3A_114 = arith.constant 32 : index
      %get3A_115 = tpu.vector_load %arg10[%get3A_113, %get3A_114] {strides = array<i32>} : memref<157x128xi32, #tpu.memory_space<vmem>>, vector<1x16xi32>,
      %get3A_116 = vector.shape_cast %get3A_115 : vector<1x16xi32> to vector<16xi32>
      %mul3A_117 = arith.constant 2 : i32
      %mul3A_118 = vector.broadcast %mul3A_117 : i32 to vector<16xi32>
      %mul3A_119 = arith.muli %get3A_116, %mul3A_118 : vector<16xi32>
      %add3A_120 = vector.broadcast %arg0 : i32 to vector<16xi32>
      %add3A_121 = arith.addi %mul3A_119, %add3A_120 : vector<16xi32>
      %swap3A_122 = arith.index_cast %scan3A_87 : i32 to index
      %swap3A_123 = arith.constant 32 : index
      %swap3A_124 = tpu.vector_load %arg10[%swap3A_122, %swap3A_123] {strides = array<i32>} : memref<157x128xi32, #tpu.memory_space<vmem>>, vector<1x16xi32>,
      %swap3A_125 = vector.shape_cast %swap3A_124 : vector<1x16xi32> to vector<16xi32>
      %swap3A_126 = vector.shape_cast %add3A_121 : vector<16xi32> to vector<1x16xi32>
      tpu.vector_store %arg10[%swap3A_122, %swap3A_123], %swap3A_126 {strides = array<i32>} : memref<157x128xi32, #tpu.memory_space<vmem>>, vector<1x16xi32>,
      %get3A_127 = arith.index_cast %scan3A_87 : i32 to index
      %get3A_128 = arith.constant 48 : index
      %get3A_129 = tpu.vector_load %arg10[%get3A_127, %get3A_128] {strides = array<i32>} : memref<157x128xi32, #tpu.memory_space<vmem>>, vector<1x16xi32>,
      %get3A_130 = vector.shape_cast %get3A_129 : vector<1x16xi32> to vector<16xi32>
      %mul3A_131 = arith.constant 2 : i32
      %mul3A_132 = vector.broadcast %mul3A_131 : i32 to vector<16xi32>
      %mul3A_133 = arith.muli %get3A_130, %mul3A_132 : vector<16xi32>
      %add3A_134 = vector.broadcast %arg0 : i32 to vector<16xi32>
      %add3A_135 = arith.addi %mul3A_133, %add3A_134 : vector<16xi32>
      %swap3A_136 = arith.index_cast %scan3A_87 : i32 to index
      %swap3A_137 = arith.constant 48 : index
      %swap3A_138 = tpu.vector_load %arg10[%swap3A_136, %swap3A_137] {strides = array<i32>} : memref<157x128xi32, #tpu.memory_space<vmem>>, vector<1x16xi32>,
      %swap3A_139 = vector.shape_cast %swap3A_138 : vector<1x16xi32> to vector<16xi32>
      %swap3A_140 = vector.shape_cast %add3A_135 : vector<16xi32> to vector<1x16xi32>
      tpu.vector_store %arg10[%swap3A_136, %swap3A_137], %swap3A_140 {strides = array<i32>} : memref<157x128xi32, #tpu.memory_space<vmem>>, vector<1x16xi32>,
      %get3A_141 = arith.index_cast %scan3A_87 : i32 to index
      %get3A_142 = arith.constant 64 : index
      %get3A_143 = tpu.vector_load %arg10[%get3A_141, %get3A_142] {strides = array<i32>} : memref<157x128xi32, #tpu.memory_space<vmem>>, vector<1x16xi32>,
      %get3A_144 = vector.shape_cast %get3A_143 : vector<1x16xi32> to vector<16xi32>
      %mul3A_145 = arith.constant 2 : i32
      %mul3A_146 = vector.broadcast %mul3A_145 : i32 to vector<16xi32>
      %mul3A_147 = arith.muli %get3A_144, %mul3A_146 : vector<16xi32>
      %add3A_148 = vector.broadcast %arg0 : i32 to vector<16xi32>
      %add3A_149 = arith.addi %mul3A_147, %add3A_148 : vector<16xi32>
      %swap3A_150 = arith.index_cast %scan3A_87 : i32 to index
      %swap3A_151 = arith.constant 64 : index
      %swap3A_152 = tpu.vector_load %arg10[%swap3A_150, %swap3A_151] {strides = array<i32>} : memref<157x128xi32, #tpu.memory_space<vmem>>, vector<1x16xi32>,
      %swap3A_153 = vector.shape_cast %swap3A_152 : vector<1x16xi32> to vector<16xi32>
      %swap3A_154 = vector.shape_cast %add3A_149 : vector<16xi32> to vector<1x16xi32>
      tpu.vector_store %arg10[%swap3A_150, %swap3A_151], %swap3A_154 {strides = array<i32>} : memref<157x128xi32, #tpu.memory_space<vmem>>, vector<1x16xi32>,
      %get3A_155 = arith.index_cast %scan3A_87 : i32 to index
      %get3A_156 = arith.constant 80 : index
      %get3A_157 = tpu.vector_load %arg10[%get3A_155, %get3A_156] {strides = array<i32>} : memref<157x128xi32, #tpu.memory_space<vmem>>, vector<1x16xi32>,
      %get3A_158 = vector.shape_cast %get3A_157 : vector<1x16xi32> to vector<16xi32>
      %mul3A_159 = arith.constant 2 : i32
      %mul3A_160 = vector.broadcast %mul3A_159 : i32 to vector<16xi32>
      %mul3A_161 = arith.muli %get3A_158, %mul3A_160 : vector<16xi32>
      %add3A_162 = vector.broadcast %arg0 : i32 to vector<16xi32>
      %add3A_163 = arith.addi %mul3A_161, %add3A_162 : vector<16xi32>
      %swap3A_164 = arith.index_cast %scan3A_87 : i32 to index
      %swap3A_165 = arith.constant 80 : index
      %swap3A_166 = tpu.vector_load %arg10[%swap3A_164, %swap3A_165] {strides = array<i32>} : memref<157x128xi32, #tpu.memory_space<vmem>>, vector<1x16xi32>,
      %swap3A_167 = vector.shape_cast %swap3A_166 : vector<1x16xi32> to vector<16xi32>
      %swap3A_168 = vector.shape_cast %add3A_163 : vector<16xi32> to vector<1x16xi32>
      tpu.vector_store %arg10[%swap3A_164, %swap3A_165], %swap3A_168 {strides = array<i32>} : memref<157x128xi32, #tpu.memory_space<vmem>>, vector<1x16xi32>,
      %get3A_169 = arith.index_cast %scan3A_87 : i32 to index
      %get3A_170 = arith.constant 96 : index
      %get3A_171 = tpu.vector_load %arg10[%get3A_169, %get3A_170] {strides = array<i32>} : memref<157x128xi32, #tpu.memory_space<vmem>>, vector<1x16xi32>,
      %get3A_172 = vector.shape_cast %get3A_171 : vector<1x16xi32> to vector<16xi32>
      %mul3A_173 = arith.constant 2 : i32
      %mul3A_174 = vector.broadcast %mul3A_173 : i32 to vector<16xi32>
      %mul3A_175 = arith.muli %get3A_172, %mul3A_174 : vector<16xi32>
      %add3A_176 = vector.broadcast %arg0 : i32 to vector<16xi32>
      %add3A_177 = arith.addi %mul3A_175, %add3A_176 : vector<16xi32>
      %swap3A_178 = arith.index_cast %scan3A_87 : i32 to index
      %swap3A_179 = arith.constant 96 : index
      %swap3A_180 = tpu.vector_load %arg10[%swap3A_178, %swap3A_179] {strides = array<i32>} : memref<157x128xi32, #tpu.memory_space<vmem>>, vector<1x16xi32>,
      %swap3A_181 = vector.shape_cast %swap3A_180 : vector<1x16xi32> to vector<16xi32>
      %swap3A_182 = vector.shape_cast %add3A_177 : vector<16xi32> to vector<1x16xi32>
      tpu.vector_store %arg10[%swap3A_178, %swap3A_179], %swap3A_182 {strides = array<i32>} : memref<157x128xi32, #tpu.memory_space<vmem>>, vector<1x16xi32>,
      %get3A_183 = arith.index_cast %scan3A_87 : i32 to index
      %get3A_184 = arith.constant 112 : index
      %get3A_185 = tpu.vector_load %arg10[%get3A_183, %get3A_184] {strides = array<i32>} : memref<157x128xi32, #tpu.memory_space<vmem>>, vector<1x16xi32>,
      %get3A_186 = vector.shape_cast %get3A_185 : vector<1x16xi32> to vector<16xi32>
      %mul3A_187 = arith.constant 2 : i32
      %mul3A_188 = vector.broadcast %mul3A_187 : i32 to vector<16xi32>
      %mul3A_189 = arith.muli %get3A_186, %mul3A_188 : vector<16xi32>
      %add3A_190 = vector.broadcast %arg0 : i32 to vector<16xi32>
      %add3A_191 = arith.addi %mul3A_189, %add3A_190 : vector<16xi32>
      %swap3A_192 = arith.index_cast %scan3A_87 : i32 to index
      %swap3A_193 = arith.constant 112 : index
      %swap3A_194 = tpu.vector_load %arg10[%swap3A_192, %swap3A_193] {strides = array<i32>} : memref<157x128xi32, #tpu.memory_space<vmem>>, vector<1x16xi32>,
      %swap3A_195 = vector.shape_cast %swap3A_194 : vector<1x16xi32> to vector<16xi32>
      %swap3A_196 = vector.shape_cast %add3A_191 : vector<16xi32> to vector<1x16xi32>
      tpu.vector_store %arg10[%swap3A_192, %swap3A_193], %swap3A_196 {strides = array<i32>} : memref<157x128xi32, #tpu.memory_space<vmem>>, vector<1x16xi32>,
    }
    %scan3A_5 = arith.constant 157 : i32
    "tpu.region"() ({
      %run_scoped3A = tpu.sem_alloc : memref<!tpu.dma_semaphore, #tpu.memory_space<semaphore_mem>>
      tpu.enqueue_dma source(%arg7 : memref<128x8xf32, #tpu.memory_space<hbm>>) target(%arg13 : memref<128x8xf32, #tpu.memory_space<vmem>>) target_semaphore(%run_scoped3A : memref<!tpu.dma_semaphore, #tpu.memory_space<semaphore_mem>>)
      tpu.wait_dma2 semaphore(%run_scoped3A : memref<!tpu.dma_semaphore, #tpu.memory_space<semaphore_mem>>) src(%arg7 : memref<128x8xf32, #tpu.memory_space<hbm>>) dst(%arg13 : memref<128x8xf32, #tpu.memory_space<vmem>>)
      tpu.yield
    }) : () -> ()
    "tpu.region"() ({
      %run_scoped3A = tpu.sem_alloc : memref<!tpu.dma_semaphore, #tpu.memory_space<semaphore_mem>>
      %dma_start3A_87 = arith.constant 0 : i32
      %dma_start3A_88 = tpu.memref_slice %arg14[%mul3A_0, %dma_start3A_87] : memref<10112x64xbf16, #tpu.memory_space<vmem_shared>> -> memref<632x64xbf16, #tpu.memory_space<vmem_shared>>
      tpu.enqueue_dma source(%arg5 : memref<632x64xbf16, #tpu.memory_space<hbm>>) target(%dma_start3A_88 : memref<632x64xbf16, #tpu.memory_space<vmem_shared>>) target_semaphore(%run_scoped3A : memref<!tpu.dma_semaphore, #tpu.memory_space<semaphore_mem>>)
      %dma_wait3A_89 = arith.constant 0 : i32
      %dma_wait3A_90 = tpu.memref_slice %arg14[%mul3A_0, %dma_wait3A_89] : memref<10112x64xbf16, #tpu.memory_space<vmem_shared>> -> memref<632x64xbf16, #tpu.memory_space<vmem_shared>>
      tpu.wait_dma2 semaphore(%run_scoped3A : memref<!tpu.dma_semaphore, #tpu.memory_space<semaphore_mem>>) src(%arg5 : memref<632x64xbf16, #tpu.memory_space<hbm>>) dst(%dma_wait3A_90 : memref<632x64xbf16, #tpu.memory_space<vmem_shared>>)
      tpu.yield
    }) : () -> ()
    "tpu.region"() ({
      %run_scoped3A = tpu.sem_alloc : memref<!tpu.dma_semaphore, #tpu.memory_space<semaphore_mem>>
      %dma_start3A_87 = arith.constant 0 : i32
      %dma_start3A_88 = tpu.memref_slice %arg15[%mul3A_0, %dma_start3A_87] : memref<10112x8xf32, #tpu.memory_space<vmem_shared>> -> memref<632x8xf32, #tpu.memory_space<vmem_shared>>
      tpu.enqueue_dma source(%arg6 : memref<632x8xf32, #tpu.memory_space<hbm>>) target(%dma_start3A_88 : memref<632x8xf32, #tpu.memory_space<vmem_shared>>) target_semaphore(%run_scoped3A : memref<!tpu.dma_semaphore, #tpu.memory_space<semaphore_mem>>)
      %dma_wait3A_89 = arith.constant 0 : i32
      %dma_wait3A_90 = tpu.memref_slice %arg15[%mul3A_0, %dma_wait3A_89] : memref<10112x8xf32, #tpu.memory_space<vmem_shared>> -> memref<632x8xf32, #tpu.memory_space<vmem_shared>>
      tpu.wait_dma2 semaphore(%run_scoped3A : memref<!tpu.dma_semaphore, #tpu.memory_space<semaphore_mem>>) src(%arg6 : memref<632x8xf32, #tpu.memory_space<hbm>>) dst(%dma_wait3A_90 : memref<632x8xf32, #tpu.memory_space<vmem_shared>>)
      tpu.yield
    }) : () -> ()
    %barrier3A = arith.constant 0 : index
    tpu.barrier barrier_id(%barrier3A)
    %rem3A = arith.constant 0 : i32
    %rem3A_6 = arith.constant 5 : i32
    %rem3A_7 = arith.remsi %rem3A, %rem3A_6 : i32
    %dma_start3A = arith.constant 0 : i32
    %dma_start3A_8 = arith.constant 0 : i32
    %dma_start3A_9 = arith.constant 0 : i32
    %dma_start3A_10 = tpu.memref_slice %arg12[%rem3A_7, %dma_start3A_8, %dma_start3A_9] : memref<5x128x64xbf16, #tpu.memory_space<vmem>> -> memref<1x128x64xbf16, #tpu.memory_space<vmem>>
    %dma_start3A_11 = tpu.memref_squeeze %dma_start3A_10 : memref<1x128x64xbf16, #tpu.memory_space<vmem>> -> memref<128x64xbf16, #tpu.memory_space<vmem>>
    %dma_start3A_12 = arith.constant 0 : i32
    %dma_start3A_13 = tpu.memref_slice %arg10[%dma_start3A, %dma_start3A_12] : memref<157x128xi32, #tpu.memory_space<vmem>> -> memref<1x128xi32, #tpu.memory_space<vmem>>
    %dma_start3A_14 = tpu.memref_squeeze %dma_start3A_13 : memref<1x128xi32, #tpu.memory_space<vmem>> -> memref<128xi32, #tpu.memory_space<vmem>>
    %dma_start3A_15 = arith.constant 0 : i32
    %dma_start3A_16 = arith.constant 0 : i32
    %dma_start3A_17 = tpu.memref_slice %arg2[%dma_start3A_15, %dma_start3A_16] : memref<20000x64xbf16, #tpu.memory_space<hbm>> -> memref<20000x64xbf16, #tpu.memory_space<hbm>>
    tpu.enqueue_indirect_dma source(%dma_start3A_17 : memref<20000x64xbf16, #tpu.memory_space<hbm>>) target(%dma_start3A_11 : memref<128x64xbf16, #tpu.memory_space<vmem>>) offsets(%dma_start3A_14 : memref<128xi32, #tpu.memory_space<vmem>>) semaphore(%arg16 : memref<!tpu.dma_semaphore, #tpu.memory_space<semaphore_mem>>)
    %rem3A_18 = arith.constant 1 : i32
    %rem3A_19 = arith.constant 5 : i32
    %rem3A_20 = arith.remsi %rem3A_18, %rem3A_19 : i32
    %dma_start3A_21 = arith.constant 1 : i32
    %dma_start3A_22 = arith.constant 0 : i32
    %dma_start3A_23 = arith.constant 0 : i32
    %dma_start3A_24 = tpu.memref_slice %arg12[%rem3A_20, %dma_start3A_22, %dma_start3A_23] : memref<5x128x64xbf16, #tpu.memory_space<vmem>> -> memref<1x128x64xbf16, #tpu.memory_space<vmem>>
    %dma_start3A_25 = tpu.memref_squeeze %dma_start3A_24 : memref<1x128x64xbf16, #tpu.memory_space<vmem>> -> memref<128x64xbf16, #tpu.memory_space<vmem>>
    %dma_start3A_26 = arith.constant 0 : i32
    %dma_start3A_27 = tpu.memref_slice %arg10[%dma_start3A_21, %dma_start3A_26] : memref<157x128xi32, #tpu.memory_space<vmem>> -> memref<1x128xi32, #tpu.memory_space<vmem>>
    %dma_start3A_28 = tpu.memref_squeeze %dma_start3A_27 : memref<1x128xi32, #tpu.memory_space<vmem>> -> memref<128xi32, #tpu.memory_space<vmem>>
    %dma_start3A_29 = arith.constant 0 : i32
    %dma_start3A_30 = arith.constant 0 : i32
    %dma_start3A_31 = tpu.memref_slice %arg2[%dma_start3A_29, %dma_start3A_30] : memref<20000x64xbf16, #tpu.memory_space<hbm>> -> memref<20000x64xbf16, #tpu.memory_space<hbm>>
    tpu.enqueue_indirect_dma source(%dma_start3A_31 : memref<20000x64xbf16, #tpu.memory_space<hbm>>) target(%dma_start3A_25 : memref<128x64xbf16, #tpu.memory_space<vmem>>) offsets(%dma_start3A_28 : memref<128xi32, #tpu.memory_space<vmem>>) semaphore(%arg16 : memref<!tpu.dma_semaphore, #tpu.memory_space<semaphore_mem>>)
    %rem3A_32 = arith.constant 2 : i32
    %rem3A_33 = arith.constant 5 : i32
    %rem3A_34 = arith.remsi %rem3A_32, %rem3A_33 : i32
    %dma_start3A_35 = arith.constant 2 : i32
    %dma_start3A_36 = arith.constant 0 : i32
    %dma_start3A_37 = arith.constant 0 : i32
    %dma_start3A_38 = tpu.memref_slice %arg12[%rem3A_34, %dma_start3A_36, %dma_start3A_37] : memref<5x128x64xbf16, #tpu.memory_space<vmem>> -> memref<1x128x64xbf16, #tpu.memory_space<vmem>>
    %dma_start3A_39 = tpu.memref_squeeze %dma_start3A_38 : memref<1x128x64xbf16, #tpu.memory_space<vmem>> -> memref<128x64xbf16, #tpu.memory_space<vmem>>
    %dma_start3A_40 = arith.constant 0 : i32
    %dma_start3A_41 = tpu.memref_slice %arg10[%dma_start3A_35, %dma_start3A_40] : memref<157x128xi32, #tpu.memory_space<vmem>> -> memref<1x128xi32, #tpu.memory_space<vmem>>
    %dma_start3A_42 = tpu.memref_squeeze %dma_start3A_41 : memref<1x128xi32, #tpu.memory_space<vmem>> -> memref<128xi32, #tpu.memory_space<vmem>>
    %dma_start3A_43 = arith.constant 0 : i32
    %dma_start3A_44 = arith.constant 0 : i32
    %dma_start3A_45 = tpu.memref_slice %arg2[%dma_start3A_43, %dma_start3A_44] : memref<20000x64xbf16, #tpu.memory_space<hbm>> -> memref<20000x64xbf16, #tpu.memory_space<hbm>>
    tpu.enqueue_indirect_dma source(%dma_start3A_45 : memref<20000x64xbf16, #tpu.memory_space<hbm>>) target(%dma_start3A_39 : memref<128x64xbf16, #tpu.memory_space<vmem>>) offsets(%dma_start3A_42 : memref<128xi32, #tpu.memory_space<vmem>>) semaphore(%arg16 : memref<!tpu.dma_semaphore, #tpu.memory_space<semaphore_mem>>)
    %scan3A_46 = arith.constant 0 : i32
    %scan3A_47 = arith.constant 0 : i32
    %scan3A_48 = arith.constant 157 : i32
    %scan3A_49 = arith.addi %scan3A_47, %scan3A_48 : i32
    %scan3A_50 = arith.constant 1 : i32
    scf.for %scan3A_87 = %scan3A_47 to %scan3A_49 step %scan3A_50  : i32 {
      %rem3A_88 = arith.constant 5 : i32
      %rem3A_89 = arith.remsi %scan3A_87, %rem3A_88 : i32
      %dma_wait3A_90 = arith.constant 0 : i32
      %dma_wait3A_91 = arith.constant 0 : i32
      %dma_wait3A_92 = tpu.memref_slice %arg12[%rem3A_89, %dma_wait3A_90, %dma_wait3A_91] : memref<5x128x64xbf16, #tpu.memory_space<vmem>> -> memref<1x128x64xbf16, #tpu.memory_space<vmem>>
      %dma_wait3A_93 = tpu.memref_squeeze %dma_wait3A_92 : memref<1x128x64xbf16, #tpu.memory_space<vmem>> -> memref<128x64xbf16, #tpu.memory_space<vmem>>
      %dma_wait3A_94 = arith.constant 0 : i32
      %dma_wait3A_95 = tpu.memref_slice %arg10[%scan3A_87, %dma_wait3A_94] : memref<157x128xi32, #tpu.memory_space<vmem>> -> memref<1x128xi32, #tpu.memory_space<vmem>>
      %dma_wait3A_96 = tpu.memref_squeeze %dma_wait3A_95 : memref<1x128xi32, #tpu.memory_space<vmem>> -> memref<128xi32, #tpu.memory_space<vmem>>
      %dma_wait3A_97 = arith.constant 0 : i32
      %dma_wait3A_98 = arith.constant 0 : i32
      %dma_wait3A_99 = tpu.memref_slice %arg2[%dma_wait3A_97, %dma_wait3A_98] : memref<20000x64xbf16, #tpu.memory_space<hbm>> -> memref<20000x64xbf16, #tpu.memory_space<hbm>>
      tpu.wait_indirect_dma semaphore(%arg16 : memref<!tpu.dma_semaphore, #tpu.memory_space<semaphore_mem>>) src(%dma_wait3A_99 : memref<20000x64xbf16, #tpu.memory_space<hbm>>) dst(%dma_wait3A_93 : memref<128x64xbf16, #tpu.memory_space<vmem>>)
      %ge3A = arith.constant 2 : i32
      %ge3A_100 = arith.cmpi sge, %scan3A_87, %ge3A : i32
      %convert_element_type3A = arith.extui %ge3A_100 : i1 to i32
      %cond3A = arith.constant 0 : i32
      %cond3A_101 = arith.cmpi ne, %convert_element_type3A, %cond3A : i32
      scf.if %cond3A_101 {
        %sub3A_124 = arith.constant 2 : i32
        %sub3A_125 = arith.subi %scan3A_87, %sub3A_124 : i32
        %rem3A_126 = arith.constant 5 : i32
        %rem3A_127 = arith.remsi %sub3A_125, %rem3A_126 : i32
        %dma_wait3A_128 = arith.constant 0 : i32
        %dma_wait3A_129 = arith.constant 0 : i32
        %dma_wait3A_130 = tpu.memref_slice %arg12[%rem3A_127, %dma_wait3A_128, %dma_wait3A_129] : memref<5x128x64xbf16, #tpu.memory_space<vmem>> -> memref<1x128x64xbf16, #tpu.memory_space<vmem>>
        %dma_wait3A_131 = tpu.memref_squeeze %dma_wait3A_130 : memref<1x128x64xbf16, #tpu.memory_space<vmem>> -> memref<128x64xbf16, #tpu.memory_space<vmem>>
        %dma_wait3A_132 = arith.constant 0 : i32
        %dma_wait3A_133 = tpu.memref_slice %arg11[%sub3A_125, %dma_wait3A_132] : memref<157x128xi32, #tpu.memory_space<vmem>> -> memref<1x128xi32, #tpu.memory_space<vmem>>
        %dma_wait3A_134 = tpu.memref_squeeze %dma_wait3A_133 : memref<1x128xi32, #tpu.memory_space<vmem>> -> memref<128xi32, #tpu.memory_space<vmem>>
        %dma_wait3A_135 = arith.constant 0 : i32
        %dma_wait3A_136 = arith.constant 0 : i32
        %dma_wait3A_137 = tpu.memref_slice %arg14[%dma_wait3A_135, %dma_wait3A_136] : memref<10112x64xbf16, #tpu.memory_space<vmem_shared>> -> memref<10112x64xbf16, #tpu.memory_space<vmem_shared>>
        tpu.wait_indirect_dma semaphore(%arg17 : memref<!tpu.dma_semaphore, #tpu.memory_space<semaphore_mem>>) src(%dma_wait3A_131 : memref<128x64xbf16, #tpu.memory_space<vmem>>) dst(%dma_wait3A_137 : memref<10112x64xbf16, #tpu.memory_space<vmem_shared>>)
      } else {
      }
      %rem3A_102 = arith.constant 5 : i32
      %rem3A_103 = arith.remsi %scan3A_87, %rem3A_102 : i32
      %dma_start3A_104 = arith.constant 0 : i32
      %dma_start3A_105 = arith.constant 0 : i32
      %dma_start3A_106 = tpu.memref_slice %arg12[%rem3A_103, %dma_start3A_104, %dma_start3A_105] : memref<5x128x64xbf16, #tpu.memory_space<vmem>> -> memref<1x128x64xbf16, #tpu.memory_space<vmem>>
      %dma_start3A_107 = tpu.memref_squeeze %dma_start3A_106 : memref<1x128x64xbf16, #tpu.memory_space<vmem>> -> memref<128x64xbf16, #tpu.memory_space<vmem>>
      %dma_start3A_108 = arith.constant 0 : i32
      %dma_start3A_109 = tpu.memref_slice %arg11[%scan3A_87, %dma_start3A_108] : memref<157x128xi32, #tpu.memory_space<vmem>> -> memref<1x128xi32, #tpu.memory_space<vmem>>
      %dma_start3A_110 = tpu.memref_squeeze %dma_start3A_109 : memref<1x128xi32, #tpu.memory_space<vmem>> -> memref<128xi32, #tpu.memory_space<vmem>>
      %dma_start3A_111 = arith.constant 0 : i32
      %dma_start3A_112 = arith.constant 0 : i32
      %dma_start3A_113 = tpu.memref_slice %arg14[%dma_start3A_111, %dma_start3A_112] : memref<10112x64xbf16, #tpu.memory_space<vmem_shared>> -> memref<10112x64xbf16, #tpu.memory_space<vmem_shared>>
      tpu.enqueue_indirect_dma source(%dma_start3A_107 : memref<128x64xbf16, #tpu.memory_space<vmem>>) target(%dma_start3A_113 : memref<10112x64xbf16, #tpu.memory_space<vmem_shared>>) offsets(%dma_start3A_110 : memref<128xi32, #tpu.memory_space<vmem>>) semaphore(%arg17 : memref<!tpu.dma_semaphore, #tpu.memory_space<semaphore_mem>>) {add = true}
      %rem3A_114 = arith.constant 2 : i32
      %rem3A_115 = arith.remsi %scan3A_87, %rem3A_114 : i32
      %eq3A = arith.cmpi eq, %rem3A_115, %arg0 : i32
      %convert_element_type3A_116 = arith.extui %eq3A : i1 to i32
      %cond3A_117 = arith.constant 0 : i32
      %cond3A_118 = arith.cmpi ne, %convert_element_type3A_116, %cond3A_117 : i32
      scf.if %cond3A_118 {
        %ge3A_124 = arith.constant 2 : i32
        %ge3A_125 = arith.cmpi sge, %scan3A_87, %ge3A_124 : i32
        %convert_element_type3A_126 = arith.extui %ge3A_125 : i1 to i32
        %cond3A_127 = arith.constant 0 : i32
        %cond3A_128 = arith.cmpi ne, %convert_element_type3A_126, %cond3A_127 : i32
        scf.if %cond3A_128 {
          %sub3A_135 = arith.constant 2 : i32
          %sub3A_136 = arith.subi %scan3A_87, %sub3A_135 : i32
          %dma_wait3A_137 = arith.constant 0 : i32
          %dma_wait3A_138 = tpu.memref_slice %arg11[%sub3A_136, %dma_wait3A_137] : memref<157x128xi32, #tpu.memory_space<vmem>> -> memref<1x128xi32, #tpu.memory_space<vmem>>
          %dma_wait3A_139 = tpu.memref_squeeze %dma_wait3A_138 : memref<1x128xi32, #tpu.memory_space<vmem>> -> memref<128xi32, #tpu.memory_space<vmem>>
          %dma_wait3A_140 = arith.constant 0 : i32
          %dma_wait3A_141 = arith.constant 0 : i32
          %dma_wait3A_142 = tpu.memref_slice %arg15[%dma_wait3A_140, %dma_wait3A_141] : memref<10112x8xf32, #tpu.memory_space<vmem_shared>> -> memref<10112x8xf32, #tpu.memory_space<vmem_shared>>
          tpu.wait_indirect_dma semaphore(%arg18 : memref<!tpu.dma_semaphore, #tpu.memory_space<semaphore_mem>>) src(%arg13 : memref<128x8xf32, #tpu.memory_space<vmem>>) dst(%dma_wait3A_142 : memref<10112x8xf32, #tpu.memory_space<vmem_shared>>)
        } else {
        }
        %dma_start3A_129 = arith.constant 0 : i32
        %dma_start3A_130 = tpu.memref_slice %arg11[%scan3A_87, %dma_start3A_129] : memref<157x128xi32, #tpu.memory_space<vmem>> -> memref<1x128xi32, #tpu.memory_space<vmem>>
        %dma_start3A_131 = tpu.memref_squeeze %dma_start3A_130 : memref<1x128xi32, #tpu.memory_space<vmem>> -> memref<128xi32, #tpu.memory_space<vmem>>
        %dma_start3A_132 = arith.constant 0 : i32
        %dma_start3A_133 = arith.constant 0 : i32
        %dma_start3A_134 = tpu.memref_slice %arg15[%dma_start3A_132, %dma_start3A_133] : memref<10112x8xf32, #tpu.memory_space<vmem_shared>> -> memref<10112x8xf32, #tpu.memory_space<vmem_shared>>
        tpu.enqueue_indirect_dma source(%arg13 : memref<128x8xf32, #tpu.memory_space<vmem>>) target(%dma_start3A_134 : memref<10112x8xf32, #tpu.memory_space<vmem_shared>>) offsets(%dma_start3A_131 : memref<128xi32, #tpu.memory_space<vmem>>) semaphore(%arg18 : memref<!tpu.dma_semaphore, #tpu.memory_space<semaphore_mem>>) {add = true}
      } else {
      }
      %add3A = arith.constant 3 : i32
      %add3A_119 = arith.addi %scan3A_87, %add3A : i32
      %lt3A = arith.constant 157 : i32
      %lt3A_120 = arith.cmpi slt, %add3A_119, %lt3A : i32
      %convert_element_type3A_121 = arith.extui %lt3A_120 : i1 to i32
      %cond3A_122 = arith.constant 0 : i32
      %cond3A_123 = arith.cmpi ne, %convert_element_type3A_121, %cond3A_122 : i32
      scf.if %cond3A_123 {
        %add3A_124 = arith.constant 3 : i32
        %add3A_125 = arith.addi %scan3A_87, %add3A_124 : i32
        %rem3A_126 = arith.constant 5 : i32
        %rem3A_127 = arith.remsi %add3A_125, %rem3A_126 : i32
        %dma_start3A_128 = arith.constant 0 : i32
        %dma_start3A_129 = arith.constant 0 : i32
        %dma_start3A_130 = tpu.memref_slice %arg12[%rem3A_127, %dma_start3A_128, %dma_start3A_129] : memref<5x128x64xbf16, #tpu.memory_space<vmem>> -> memref<1x128x64xbf16, #tpu.memory_space<vmem>>
        %dma_start3A_131 = tpu.memref_squeeze %dma_start3A_130 : memref<1x128x64xbf16, #tpu.memory_space<vmem>> -> memref<128x64xbf16, #tpu.memory_space<vmem>>
        %dma_start3A_132 = arith.constant 0 : i32
        %dma_start3A_133 = tpu.memref_slice %arg10[%add3A_125, %dma_start3A_132] : memref<157x128xi32, #tpu.memory_space<vmem>> -> memref<1x128xi32, #tpu.memory_space<vmem>>
        %dma_start3A_134 = tpu.memref_squeeze %dma_start3A_133 : memref<1x128xi32, #tpu.memory_space<vmem>> -> memref<128xi32, #tpu.memory_space<vmem>>
        %dma_start3A_135 = arith.constant 0 : i32
        %dma_start3A_136 = arith.constant 0 : i32
        %dma_start3A_137 = tpu.memref_slice %arg2[%dma_start3A_135, %dma_start3A_136] : memref<20000x64xbf16, #tpu.memory_space<hbm>> -> memref<20000x64xbf16, #tpu.memory_space<hbm>>
        tpu.enqueue_indirect_dma source(%dma_start3A_137 : memref<20000x64xbf16, #tpu.memory_space<hbm>>) target(%dma_start3A_131 : memref<128x64xbf16, #tpu.memory_space<vmem>>) offsets(%dma_start3A_134 : memref<128xi32, #tpu.memory_space<vmem>>) semaphore(%arg16 : memref<!tpu.dma_semaphore, #tpu.memory_space<semaphore_mem>>)
      } else {
      }
    }
    %scan3A_51 = arith.constant 157 : i32
    %rem3A_52 = arith.constant 155 : i32
    %rem3A_53 = arith.constant 5 : i32
    %rem3A_54 = arith.remsi %rem3A_52, %rem3A_53 : i32
    %dma_wait3A = arith.constant 155 : i32
    %dma_wait3A_55 = arith.constant 0 : i32
    %dma_wait3A_56 = arith.constant 0 : i32
    %dma_wait3A_57 = tpu.memref_slice %arg12[%rem3A_54, %dma_wait3A_55, %dma_wait3A_56] : memref<5x128x64xbf16, #tpu.memory_space<vmem>> -> memref<1x128x64xbf16, #tpu.memory_space<vmem>>
    %dma_wait3A_58 = tpu.memref_squeeze %dma_wait3A_57 : memref<1x128x64xbf16, #tpu.memory_space<vmem>> -> memref<128x64xbf16, #tpu.memory_space<vmem>>
    %dma_wait3A_59 = arith.constant 0 : i32
    %dma_wait3A_60 = tpu.memref_slice %arg11[%dma_wait3A, %dma_wait3A_59] : memref<157x128xi32, #tpu.memory_space<vmem>> -> memref<1x128xi32, #tpu.memory_space<vmem>>
    %dma_wait3A_61 = tpu.memref_squeeze %dma_wait3A_60 : memref<1x128xi32, #tpu.memory_space<vmem>> -> memref<128xi32, #tpu.memory_space<vmem>>
    %dma_wait3A_62 = arith.constant 0 : i32
    %dma_wait3A_63 = arith.constant 0 : i32
    %dma_wait3A_64 = tpu.memref_slice %arg14[%dma_wait3A_62, %dma_wait3A_63] : memref<10112x64xbf16, #tpu.memory_space<vmem_shared>> -> memref<10112x64xbf16, #tpu.memory_space<vmem_shared>>
    tpu.wait_indirect_dma semaphore(%arg17 : memref<!tpu.dma_semaphore, #tpu.memory_space<semaphore_mem>>) src(%dma_wait3A_58 : memref<128x64xbf16, #tpu.memory_space<vmem>>) dst(%dma_wait3A_64 : memref<10112x64xbf16, #tpu.memory_space<vmem_shared>>)
    %rem3A_65 = arith.constant 156 : i32
    %rem3A_66 = arith.constant 5 : i32
    %rem3A_67 = arith.remsi %rem3A_65, %rem3A_66 : i32
    %dma_wait3A_68 = arith.constant 156 : i32
    %dma_wait3A_69 = arith.constant 0 : i32
    %dma_wait3A_70 = arith.constant 0 : i32
    %dma_wait3A_71 = tpu.memref_slice %arg12[%rem3A_67, %dma_wait3A_69, %dma_wait3A_70] : memref<5x128x64xbf16, #tpu.memory_space<vmem>> -> memref<1x128x64xbf16, #tpu.memory_space<vmem>>
    %dma_wait3A_72 = tpu.memref_squeeze %dma_wait3A_71 : memref<1x128x64xbf16, #tpu.memory_space<vmem>> -> memref<128x64xbf16, #tpu.memory_space<vmem>>
    %dma_wait3A_73 = arith.constant 0 : i32
    %dma_wait3A_74 = tpu.memref_slice %arg11[%dma_wait3A_68, %dma_wait3A_73] : memref<157x128xi32, #tpu.memory_space<vmem>> -> memref<1x128xi32, #tpu.memory_space<vmem>>
    %dma_wait3A_75 = tpu.memref_squeeze %dma_wait3A_74 : memref<1x128xi32, #tpu.memory_space<vmem>> -> memref<128xi32, #tpu.memory_space<vmem>>
    %dma_wait3A_76 = arith.constant 0 : i32
    %dma_wait3A_77 = arith.constant 0 : i32
    %dma_wait3A_78 = tpu.memref_slice %arg14[%dma_wait3A_76, %dma_wait3A_77] : memref<10112x64xbf16, #tpu.memory_space<vmem_shared>> -> memref<10112x64xbf16, #tpu.memory_space<vmem_shared>>
    tpu.wait_indirect_dma semaphore(%arg17 : memref<!tpu.dma_semaphore, #tpu.memory_space<semaphore_mem>>) src(%dma_wait3A_72 : memref<128x64xbf16, #tpu.memory_space<vmem>>) dst(%dma_wait3A_78 : memref<10112x64xbf16, #tpu.memory_space<vmem_shared>>)
    %sub3A = arith.constant 156 : i32
    %sub3A_79 = arith.subi %sub3A, %arg0 : i32
    %dma_wait3A_80 = arith.constant 0 : i32
    %dma_wait3A_81 = tpu.memref_slice %arg11[%sub3A_79, %dma_wait3A_80] : memref<157x128xi32, #tpu.memory_space<vmem>> -> memref<1x128xi32, #tpu.memory_space<vmem>>
    %dma_wait3A_82 = tpu.memref_squeeze %dma_wait3A_81 : memref<1x128xi32, #tpu.memory_space<vmem>> -> memref<128xi32, #tpu.memory_space<vmem>>
    %dma_wait3A_83 = arith.constant 0 : i32
    %dma_wait3A_84 = arith.constant 0 : i32
    %dma_wait3A_85 = tpu.memref_slice %arg15[%dma_wait3A_83, %dma_wait3A_84] : memref<10112x8xf32, #tpu.memory_space<vmem_shared>> -> memref<10112x8xf32, #tpu.memory_space<vmem_shared>>
    tpu.wait_indirect_dma semaphore(%arg18 : memref<!tpu.dma_semaphore, #tpu.memory_space<semaphore_mem>>) src(%arg13 : memref<128x8xf32, #tpu.memory_space<vmem>>) dst(%dma_wait3A_85 : memref<10112x8xf32, #tpu.memory_space<vmem_shared>>)
    %barrier3A_86 = arith.constant 0 : index
    tpu.barrier barrier_id(%barrier3A_86)
    "tpu.region"() ({
      %run_scoped3A = tpu.sem_alloc : memref<!tpu.dma_semaphore, #tpu.memory_space<semaphore_mem>>
      %dma_start3A_87 = arith.constant 0 : i32
      %dma_start3A_88 = tpu.memref_slice %arg8[%arg0, %mul3A_0, %dma_start3A_87] : memref<2x10112x64xbf16, #tpu.memory_space<hbm>> -> memref<1x632x64xbf16, #tpu.memory_space<hbm>>
      %dma_start3A_89 = tpu.memref_squeeze %dma_start3A_88 : memref<1x632x64xbf16, #tpu.memory_space<hbm>> -> memref<632x64xbf16, #tpu.memory_space<hbm>>
      %dma_start3A_90 = arith.constant 0 : i32
      %dma_start3A_91 = tpu.memref_slice %arg14[%mul3A_0, %dma_start3A_90] : memref<10112x64xbf16, #tpu.memory_space<vmem_shared>> -> memref<632x64xbf16, #tpu.memory_space<vmem_shared>>
      tpu.enqueue_dma source(%dma_start3A_91 : memref<632x64xbf16, #tpu.memory_space<vmem_shared>>) target(%dma_start3A_89 : memref<632x64xbf16, #tpu.memory_space<hbm>>) target_semaphore(%run_scoped3A : memref<!tpu.dma_semaphore, #tpu.memory_space<semaphore_mem>>)
      %dma_wait3A_92 = arith.constant 0 : i32
      %dma_wait3A_93 = tpu.memref_slice %arg8[%arg0, %mul3A_0, %dma_wait3A_92] : memref<2x10112x64xbf16, #tpu.memory_space<hbm>> -> memref<1x632x64xbf16, #tpu.memory_space<hbm>>
      %dma_wait3A_94 = tpu.memref_squeeze %dma_wait3A_93 : memref<1x632x64xbf16, #tpu.memory_space<hbm>> -> memref<632x64xbf16, #tpu.memory_space<hbm>>
      %dma_wait3A_95 = arith.constant 0 : i32
      %dma_wait3A_96 = tpu.memref_slice %arg14[%mul3A_0, %dma_wait3A_95] : memref<10112x64xbf16, #tpu.memory_space<vmem_shared>> -> memref<632x64xbf16, #tpu.memory_space<vmem_shared>>
      tpu.wait_dma2 semaphore(%run_scoped3A : memref<!tpu.dma_semaphore, #tpu.memory_space<semaphore_mem>>) src(%dma_wait3A_96 : memref<632x64xbf16, #tpu.memory_space<vmem_shared>>) dst(%dma_wait3A_94 : memref<632x64xbf16, #tpu.memory_space<hbm>>)
      tpu.yield
    }) : () -> ()
    "tpu.region"() ({
      %run_scoped3A = tpu.sem_alloc : memref<!tpu.dma_semaphore, #tpu.memory_space<semaphore_mem>>
      %dma_start3A_87 = arith.constant 0 : i32
      %dma_start3A_88 = tpu.memref_slice %arg9[%arg0, %mul3A_0, %dma_start3A_87] : memref<2x10112x8xf32, #tpu.memory_space<hbm>> -> memref<1x632x8xf32, #tpu.memory_space<hbm>>
      %dma_start3A_89 = tpu.memref_squeeze %dma_start3A_88 : memref<1x632x8xf32, #tpu.memory_space<hbm>> -> memref<632x8xf32, #tpu.memory_space<hbm>>
      %dma_start3A_90 = arith.constant 0 : i32
      %dma_start3A_91 = tpu.memref_slice %arg15[%mul3A_0, %dma_start3A_90] : memref<10112x8xf32, #tpu.memory_space<vmem_shared>> -> memref<632x8xf32, #tpu.memory_space<vmem_shared>>
      tpu.enqueue_dma source(%dma_start3A_91 : memref<632x8xf32, #tpu.memory_space<vmem_shared>>) target(%dma_start3A_89 : memref<632x8xf32, #tpu.memory_space<hbm>>) target_semaphore(%run_scoped3A : memref<!tpu.dma_semaphore, #tpu.memory_space<semaphore_mem>>)
      %dma_wait3A_92 = arith.constant 0 : i32
      %dma_wait3A_93 = tpu.memref_slice %arg9[%arg0, %mul3A_0, %dma_wait3A_92] : memref<2x10112x8xf32, #tpu.memory_space<hbm>> -> memref<1x632x8xf32, #tpu.memory_space<hbm>>
      %dma_wait3A_94 = tpu.memref_squeeze %dma_wait3A_93 : memref<1x632x8xf32, #tpu.memory_space<hbm>> -> memref<632x8xf32, #tpu.memory_space<hbm>>
      %dma_wait3A_95 = arith.constant 0 : i32
      %dma_wait3A_96 = tpu.memref_slice %arg15[%mul3A_0, %dma_wait3A_95] : memref<10112x8xf32, #tpu.memory_space<vmem_shared>> -> memref<632x8xf32, #tpu.memory_space<vmem_shared>>
      tpu.wait_dma2 semaphore(%run_scoped3A : memref<!tpu.dma_semaphore, #tpu.memory_space<semaphore_mem>>) src(%dma_wait3A_96 : memref<632x8xf32, #tpu.memory_space<vmem_shared>>) dst(%dma_wait3A_94 : memref<632x8xf32, #tpu.memory_space<hbm>>)
      tpu.yield
    }) : () -> ()
    return
  }
}

module attributes {stable_mosaic.version = 14 : i64} {
  func.func @_finish_body(%arg0: i32, %arg1: memref<2000x128xf32, #tpu.memory_space<vmem>>, %arg2: memref<2x2000x64xbf16, #tpu.memory_space<vmem>>, %arg3: memref<2x2000x8xf32, #tpu.memory_space<vmem>>, %arg4: memref<128x128xf32, #tpu.memory_space<vmem>>, %arg5: memref<128x128xf32, #tpu.memory_space<vmem>>, %arg6: memref<1x128xf32, #tpu.memory_space<vmem>>, %arg7: memref<2000x128xf32, #tpu.memory_space<vmem>>) attributes {dimension_semantics = [#tpu.dimension_semantics<arbitrary>], iteration_bounds = array<i64: 5>, scalar_prefetch = 0 : i64, scratch_operands = 0 : i64, tpu.core_type = #tpu.core_type<tc>, window_params = [{transform_indices = @transform_0, window_bounds = array<i64: 2000, 128>}, {transform_indices = @transform_1, window_bounds = array<i64: 2, 2000, 64>}, {transform_indices = @transform_2, window_bounds = array<i64: 2, 2000, 8>}, {pipeline_mode = #tpu.pipeline_mode<synchronous>, transform_indices = @transform_3, window_bounds = array<i64: 128, 128>}, {pipeline_mode = #tpu.pipeline_mode<synchronous>, transform_indices = @transform_4, window_bounds = array<i64: 128, 128>}, {pipeline_mode = #tpu.pipeline_mode<synchronous>, transform_indices = @transform_5, window_bounds = array<i64: 1, 128>}, {transform_indices = @transform_6, window_bounds = array<i64: 2000, 128>}]} {
    %get3A = arith.constant 0 : index
    %get3A_0 = arith.constant 0 : index
    %get3A_1 = arith.constant 0 : index
    %get3A_2 = vector.load %arg3[%get3A, %get3A_0, %get3A_1] : memref<2x2000x8xf32, #tpu.memory_space<vmem>>, vector<1x2000x1xf32>
    %get3A_3 = vector.shape_cast %get3A_2 : vector<1x2000x1xf32> to vector<2000x1xf32>
    %get3A_4 = arith.constant 1 : index
    %get3A_5 = arith.constant 0 : index
    %get3A_6 = arith.constant 0 : index
    %get3A_7 = vector.load %arg3[%get3A_4, %get3A_5, %get3A_6] : memref<2x2000x8xf32, #tpu.memory_space<vmem>>, vector<1x2000x1xf32>
    %get3A_8 = vector.shape_cast %get3A_7 : vector<1x2000x1xf32> to vector<2000x1xf32>
    %add3A = arith.addf %get3A_3, %get3A_8 : vector<2000x1xf32>
    %gt3A = arith.constant 0.000000e+00 : f32
    %gt3A_9 = vector.broadcast %gt3A : f32 to vector<2000x1xf32>
    %gt3A_10 = arith.cmpf ogt, %add3A, %gt3A_9 : vector<2000x1xf32>
    %max3A = arith.constant 1.000000e+00 : f32
    %max3A_11 = vector.broadcast %max3A : f32 to vector<2000x1xf32>
    %max3A_12 = arith.maximumf %add3A, %max3A_11 : vector<2000x1xf32>
    %div3A = arith.constant 1.000000e+00 : f32
    %div3A_13 = vector.broadcast %div3A : f32 to vector<2000x1xf32>
    %div3A_14 = arith.divf %div3A_13, %max3A_12 : vector<2000x1xf32>
    %get3A_15 = arith.constant 0 : index
    %get3A_16 = arith.constant 0 : index
    %get3A_17 = arith.constant 0 : index
    %get3A_18 = vector.load %arg2[%get3A_15, %get3A_16, %get3A_17] : memref<2x2000x64xbf16, #tpu.memory_space<vmem>>, vector<1x2000x64xbf16>
    %get3A_19 = vector.shape_cast %get3A_18 : vector<1x2000x64xbf16> to vector<2000x64xbf16>
    %convert_element_type3A = arith.extf %get3A_19 : vector<2000x64xbf16> to vector<2000x64xf32>
    %mul3A = vector.broadcast %div3A_14 : vector<2000x1xf32> to vector<2000x64xf32>
    %mul3A_20 = arith.mulf %convert_element_type3A, %mul3A : vector<2000x64xf32>
    %jit3A = arith.constant 0.000000e+00 : f32
    %broadcast_in_dim3A = vector.shape_cast %gt3A_10 : vector<2000x1xi1> to vector<2000x1xi1>
    %broadcast_in_dim3A_21 = vector.broadcast %broadcast_in_dim3A : vector<2000x1xi1> to vector<2000x64xi1>
    %broadcast_in_dim3A_22 = vector.broadcast %jit3A : f32 to vector<2000x64xf32>
    %select_n3A = arith.select %broadcast_in_dim3A_21, %mul3A_20, %broadcast_in_dim3A_22 : vector<2000x64xi1>, vector<2000x64xf32>
    %get3A_23 = arith.constant 1 : index
    %get3A_24 = arith.constant 0 : index
    %get3A_25 = arith.constant 0 : index
    %get3A_26 = vector.load %arg2[%get3A_23, %get3A_24, %get3A_25] : memref<2x2000x64xbf16, #tpu.memory_space<vmem>>, vector<1x2000x64xbf16>
    %get3A_27 = vector.shape_cast %get3A_26 : vector<1x2000x64xbf16> to vector<2000x64xbf16>
    %convert_element_type3A_28 = arith.extf %get3A_27 : vector<2000x64xbf16> to vector<2000x64xf32>
    %mul3A_29 = vector.broadcast %div3A_14 : vector<2000x1xf32> to vector<2000x64xf32>
    %mul3A_30 = arith.mulf %convert_element_type3A_28, %mul3A_29 : vector<2000x64xf32>
    %jit3A_31 = arith.constant 0.000000e+00 : f32
    %broadcast_in_dim3A_32 = vector.shape_cast %gt3A_10 : vector<2000x1xi1> to vector<2000x1xi1>
    %broadcast_in_dim3A_33 = vector.broadcast %broadcast_in_dim3A_32 : vector<2000x1xi1> to vector<2000x64xi1>
    %broadcast_in_dim3A_34 = vector.broadcast %jit3A_31 : f32 to vector<2000x64xf32>
    %select_n3A_35 = arith.select %broadcast_in_dim3A_33, %mul3A_30, %broadcast_in_dim3A_34 : vector<2000x64xi1>, vector<2000x64xf32>
    %get3A_36 = arith.constant 0 : index
    %get3A_37 = arith.constant 0 : index
    %get3A_38 = vector.load %arg1[%get3A_36, %get3A_37] : memref<2000x128xf32, #tpu.memory_space<vmem>>, vector<2000x128xf32>
    %get3A_39 = arith.constant 0 : index
    %get3A_40 = arith.constant 0 : index
    %get3A_41 = vector.load %arg5[%get3A_39, %get3A_40] : memref<128x128xf32, #tpu.memory_space<vmem>>, vector<128x128xf32>
    %dot_general3A = arith.constant dense<0.000000e+00> : vector<2000x128xf32>
    %dot_general3A_42 = tpu.matmul %get3A_38, %get3A_41, %dot_general3A {dimension_numbers = #tpu.dot_dimension_numbers<[1], [0], [0], [1], [0, 0, 1, 1], [], []>, transpose_lhs_hint = false} : vector<2000x128xf32>, vector<128x128xf32>, vector<2000x128xf32> -> vector<2000x128xf32>
    %get3A_43 = arith.constant 0 : index
    %get3A_44 = arith.constant 0 : index
    %get3A_45 = vector.load %arg6[%get3A_43, %get3A_44] : memref<1x128xf32, #tpu.memory_space<vmem>>, vector<1x128xf32>
    %add3A_46 = vector.broadcast %get3A_45 : vector<1x128xf32> to vector<2000x128xf32>
    %add3A_47 = arith.addf %dot_general3A_42, %add3A_46 : vector<2000x128xf32>
    %get3A_48 = arith.constant 0 : index
    %get3A_49 = arith.constant 0 : index
    %get3A_50 = vector.load %arg4[%get3A_48, %get3A_49] : memref<128x128xf32, #tpu.memory_space<vmem>>, vector<64x128xf32>
    %dot_general3A_51 = arith.constant dense<0.000000e+00> : vector<2000x128xf32>
    %dot_general3A_52 = tpu.matmul %select_n3A, %get3A_50, %dot_general3A_51 {dimension_numbers = #tpu.dot_dimension_numbers<[1], [0], [0], [1], [0, 0, 1, 1], [], []>, transpose_lhs_hint = false} : vector<2000x64xf32>, vector<64x128xf32>, vector<2000x128xf32> -> vector<2000x128xf32>
    %add3A_53 = arith.addf %add3A_47, %dot_general3A_52 : vector<2000x128xf32>
    %get3A_54 = arith.constant 64 : index
    %get3A_55 = arith.constant 0 : index
    %get3A_56 = vector.load %arg4[%get3A_54, %get3A_55] : memref<128x128xf32, #tpu.memory_space<vmem>>, vector<64x128xf32>
    %dot_general3A_57 = arith.constant dense<0.000000e+00> : vector<2000x128xf32>
    %dot_general3A_58 = tpu.matmul %select_n3A_35, %get3A_56, %dot_general3A_57 {dimension_numbers = #tpu.dot_dimension_numbers<[1], [0], [0], [1], [0, 0, 1, 1], [], []>, transpose_lhs_hint = false} : vector<2000x64xf32>, vector<64x128xf32>, vector<2000x128xf32> -> vector<2000x128xf32>
    %add3A_59 = arith.addf %add3A_53, %dot_general3A_58 : vector<2000x128xf32>
    %swap3A = arith.constant 0 : index
    %swap3A_60 = arith.constant 0 : index
    %swap3A_61 = vector.load %arg7[%swap3A, %swap3A_60] : memref<2000x128xf32, #tpu.memory_space<vmem>>, vector<2000x128xf32>
    tpu.vector_store %arg7[%swap3A, %swap3A_60], %add3A_59 {strides = array<i32>} : memref<2000x128xf32, #tpu.memory_space<vmem>>, vector<2000x128xf32>,
    return
  }
  func.func @transform_0(%arg0: i32) -> (i32, i32) {
    %c0_i32 = arith.constant 0 : i32
    %c0_i32_0 = arith.constant 0 : i32
    return %arg0, %c0_i32 : i32, i32
  }
  func.func @transform_1(%arg0: i32) -> (i32, i32, i32) {
    %c0_i32 = arith.constant 0 : i32
    %c0_i32_0 = arith.constant 0 : i32
    %c0_i32_1 = arith.constant 0 : i32
    return %c0_i32, %arg0, %c0_i32_0 : i32, i32, i32
  }
  func.func @transform_2(%arg0: i32) -> (i32, i32, i32) {
    %c0_i32 = arith.constant 0 : i32
    %c0_i32_0 = arith.constant 0 : i32
    %c0_i32_1 = arith.constant 0 : i32
    return %c0_i32, %arg0, %c0_i32_0 : i32, i32, i32
  }
  func.func @transform_3(%arg0: i32) -> (i32, i32) {
    %c0_i32 = arith.constant 0 : i32
    %c0_i32_0 = arith.constant 0 : i32
    %c0_i32_1 = arith.constant 0 : i32
    return %c0_i32, %c0_i32_0 : i32, i32
  }
  func.func @transform_4(%arg0: i32) -> (i32, i32) {
    %c0_i32 = arith.constant 0 : i32
    %c0_i32_0 = arith.constant 0 : i32
    %c0_i32_1 = arith.constant 0 : i32
    return %c0_i32, %c0_i32_0 : i32, i32
  }
  func.func @transform_5(%arg0: i32) -> (i32, i32) {
    %c0_i32 = arith.constant 0 : i32
    %c0_i32_0 = arith.constant 0 : i32
    %c0_i32_1 = arith.constant 0 : i32
    return %c0_i32, %c0_i32_0 : i32, i32
  }
  func.func @transform_6(%arg0: i32) -> (i32, i32) {
    %c0_i32 = arith.constant 0 : i32
    %c0_i32_0 = arith.constant 0 : i32
    return %arg0, %c0_i32 : i32, i32
  }
}

</mosaic_0001>

<sc_bundles>
// kernel: kernel.4.cloned.1.call-start
scs
__scs_entry_jumppad:
0x0: {  	(pc) =	sbr.rel $0x88, $3  }
0x1: {  	(tag) =	ssettag $0x0;
	lr =	simm.s32 $0x1  }
0x2: {  	[smem:$0x3F9C] =	sst lr;
	_ =	strace $0xD0000000  }
0x3: {  	_ = 	snop  }
0x4: {  	_ = 	snop  }
0x5: {  	_ = 	snop  }
0x6: {  	_ = 	snop  }
0x7: {  	_ = 	snop  }
__scs_overlays_trampoline_lowered:
0x8: {  	[smem:$0x3FAB] =	sst s0  }
0x9: {  	[smem:$0x3FAC] =	sst s1  }
0xa: {  	[smem:$0x3FAD] =	sst s2  }
0xb: {  	[smem:$0x3FAE] =	sst s3  }
0xc: {  	[smem:$0x3FAF] =	sst s4  }
0xd: {  	[smem:$0x3FB0] =	sst s5  }
0xe: {  	[smem:$0x3FB1] =	sst s6  }
0xf: {  	[smem:$0x3FB2] =	sst s7  }
0x10: {  	[smem:$0x3FB3] =	sst s8  }
0x11: {  	[smem:$0x3FB4] =	sst s9;
	s0 =	simm.s32 @!p0 $0x0  }
0x12: {  	s1 =	sld [smem:$0x3F9A];
	s0 =	simm.s32 @p0 $0x1  }
0x13: {  	[smem:$0x3FB5] =	sst s0;
	s0 =	simm.s32 @!p1 $0x0  }
0x14: {  	s2 =	sld [smem:$0x3F99];
	s0 =	simm.s32 @p1 $0x1  }
0x15: {  	[smem:$0x3FB6] =	sst s0;
	s0 =	simm.s32 @!p2 $0x0  }
0x16: {  	s3 =	sld [smem:$0x3FDB];
	s0 =	simm.s32 @p2 $0x1  }
0x17: {  	s4 =	simm.s32 $0x1BF5;
	[smem:$0x3FB8] =	sst s0  }
0x18: {  	s0 =	sld [smem:$0x3F9B];
	_ =	swait.ge [sflag:s4], $0x0  }
0x19: {  	s7 =	sld [smem:$0x3F9C]  }
0x1a: {  	s8 =	sadd.s32 $0xFFFFE003, lr  }
0x1b: {  	s9 =	sadd.s32 $0xFFFFFEF7, lr;
	s5 =	simm.s32 $0xFFFFFFFF;
	p2 =	slt.u32 s8, $0xFFFFF086  }
0x1c: {  	p1 =	slt.u32 s9, $0xF7A;
	s5 =	simm.s32 @!p2 $0x0  }
0x1d: {  	s5 =	simm.s32 @p1 $0x1;
	p0 =	seq.s32 s7, s2  }
0x1e: {  	s7 =	smul.u32 @!p0 $0xF7A, s2;
	p2 =	seq.s32 @!p0 s5, $0x0  }
0x1f: {  	s9 =	smul.u32 $0xF7A, s1;
	s8 =	simm.s32 @!p0 $0x1BF5;
	p2 =	por !p2, p0  }
0x20: {  	[sflag:s8] =	ssyncset.s32 @!p0 $0xFFFFF086;
	s6 =	sadd.s32 @!p0 s3, s7;
	s7 =	simm.s32 @!p0 $0x108  }
0x21: {  	s3 =	sadd.s32 s3, s9;
	s6 =	sadd.s32 @!p0 $0x88, s6;
	s7 =	simm.s32 @p2 $0x1082  }
0x22: {  	[simem:s7], [sflag:s8] =	dma.local @!p0 [hbm:s6], $0xF7A  }
0x23: {  	s9 =	sor.u32 $0xD0000000, s2;
	s6 =	simm.s32 $0x108;
	_ =	swait.ge @!p0 [sflag:s8], $0x0  }
0x24: {  	s3 =	sadd.s32 $0x88, s3;
	s6 =	simm.s32 @!p1 $0x1082;
	[sflag:s4] =	ssyncset.s32 $0xFFFFF086  }
0x25: {  	[simem:s6], [sflag:s4] =	dma.local [hbm:s3], $0xF7A  }
0x26: {  	[smem:$0x3F9C] =	sst s1;
	(tag) =	ssettag s2;
	_ =	strace s9  }
0x27: {  	s1 =	sld [smem:$0x3FAC]  }
0x28: {  	s2 =	sld [smem:$0x3FAD]  }
0x29: {  	s4 =	sld [smem:$0x3FAF]  }
0x2a: {  	p0 =	seq.s32 s5, $0x0;
	s5 =	sld [smem:$0x3FB0]  }
0x2b: {  	s6 =	sld [smem:$0x3FB1]  }
0x2c: {  	s7 =	sld [smem:$0x3FB2]  }
0x2d: {  	s3 =	simm.s32 $0x108;
	s8 =	sld [smem:$0x3FB3]  }
0x2e: {  	s3 =	simm.s32 @!p0 $0x1082;
	s9 =	sld [smem:$0x3FB4]  }
0x2f: {  	lr =	sadd.s32 s0, s3;
	s0 =	sld [smem:$0x3FAB]  }
0x30: {  	s3 =	sld [smem:$0x3FAE]  }
0x31: {  	[smem:$0x3FB7] =	sst s10  }
0x32: {  	s10 =	sld [smem:$0x3FB5];
	_ =	sdelay $0x3  }
0x33: {  	p0 =	seq.s32 s10, $0x1;
	s10 =	sld [smem:$0x3FB7];
	_ =	sdelay $0x3  }
0x34: {  	[smem:$0x3FB7] =	sst s10  }
0x35: {  	s10 =	sld [smem:$0x3FB6];
	_ =	sdelay $0x3  }
0x36: {  	p1 =	seq.s32 s10, $0x1;
	s10 =	sld [smem:$0x3FB7];
	_ =	sdelay $0x3  }
0x37: {  	[smem:$0x3FB7] =	sst s10  }
0x38: {  	s10 =	sld [smem:$0x3FB8]  }
0x39: {  	_ = 	snop;
	(pc) =	sbr.ind lr, $3  }
0x3a: {  	_ = 	snop  }
0x3b: {  	_ = 	snop  }
0x3c: {  	p2 =	seq.s32 s10, $0x1;
	s10 =	sld [smem:$0x3FB7]  }
0x3d: {  	_ =	shalt  }
0x3e: {  	_ =	shalt  }
0x3f: {  	_ =	shalt  }
0x40: {  	_ =	shalt  }
0x41: {  	_ =	shalt  }
0x42: {  	_ =	shalt  }
0x43: {  	_ =	shalt  }
0x44: {  	_ =	shalt  }
0x45: {  	_ =	shalt  }
0x46: {  	_ =	shalt  }
0x47: {  	_ =	shalt  }
0x48: {  	_ =	shalt  }
0x49: {  	_ =	shalt  }
0x4a: {  	_ =	shalt  }
0x4b: {  	_ =	shalt  }
0x4c: {  	_ =	shalt  }
0x4d: {  	_ =	shalt  }
0x4e: {  	_ =	shalt  }
0x4f: {  	_ =	shalt  }
0x50: {  	_ =	shalt  }
0x51: {  	_ =	shalt  }
0x52: {  	_ =	shalt  }
0x53: {  	_ =	shalt  }
0x54: {  	_ =	shalt  }
0x55: {  	_ =	shalt  }
0x56: {  	_ =	shalt  }
0x57: {  	_ =	shalt  }
0x58: {  	_ =	shalt  }
0x59: {  	_ =	shalt  }
0x5a: {  	_ =	shalt  }
0x5b: {  	_ =	shalt  }
0x5c: {  	_ =	shalt  }
0x5d: {  	_ =	shalt  }
0x5e: {  	_ =	shalt  }
0x5f: {  	_ =	shalt  }
0x60: {  	_ =	shalt  }
0x61: {  	_ =	shalt  }
0x62: {  	_ =	shalt  }
0x63: {  	_ =	shalt  }
0x64: {  	_ =	shalt  }
0x65: {  	_ =	shalt  }
0x66: {  	_ =	shalt  }
0x67: {  	_ =	shalt  }
0x68: {  	_ =	shalt  }
0x69: {  	_ =	shalt  }
0x6a: {  	_ =	shalt  }
0x6b: {  	_ =	shalt  }
0x6c: {  	_ =	shalt  }
0x6d: {  	_ =	shalt  }
0x6e: {  	_ =	shalt  }
0x6f: {  	_ =	shalt  }
0x70: {  	_ =	shalt  }
0x71: {  	_ =	shalt  }
0x72: {  	_ =	shalt  }
0x73: {  	_ =	shalt  }
0x74: {  	_ =	shalt  }
0x75: {  	_ =	shalt  }
0x76: {  	_ =	shalt  }
0x77: {  	_ =	shalt  }
0x78: {  	_ =	shalt  }
0x79: {  	_ =	shalt  }
0x7a: {  	_ =	shalt  }
0x7b: {  	_ =	shalt  }
0x7c: {  	_ =	shalt  }
0x7d: {  	_ =	shalt  }
0x7e: {  	_ =	shalt  }
0x7f: {  	_ =	shalt  }
0x80: {  	_ =	shalt  }
0x81: {  	_ =	shalt  }
0x82: {  	_ =	shalt  }
0x83: {  	_ =	shalt  }
0x84: {  	_ =	shalt  }
0x85: {  	_ =	shalt  }
0x86: {  	_ =	shalt  }
0x87: {  	_ =	shalt  }
.Lfunc_end0:
.L_simem_size_0:
called_computation_lowered:
.L_overlay_start_0:
0x88: {  	s2 =	sld [smem:$0x3FD9]  }
0x89: {  	s3 =	sld [smem:$0x3FFE];
	_ =	sdelay $0x1  }
0x8a: {  	s1 =	srdreg.scid  }
0x8b: {  	s0 =	sand.u32 $0x1, s1  }
0x8c: {  	s17 =	sshll.u32 s0, $0xA;
	s2 =	sadd.s32 s3, s2  }
0x8d: {  	s2 =	sadd.s32 s2, s17  }
0x8e: {  	[smem:$0x3FC3] =	sst s2  }
0x8f: {  	_ = 	snop  }
0x90: {  	s2 =	sld [smem:$0x3FD0];
	(tm) =	ssettm $0x1  }
0x91: {  	s18 =	sld [smem:$0x3FFB];
	_ =	sdelay $0x3  }
0x92: {  	_ =	strace s18  }
0x93: {  	s3 =	sld [smem:$0x3FFC];
	_ =	sdelay $0x3  }
0x94: {  	_ =	strace s3  }
0x95: {  	s3 =	sld [smem:$0x3FFD];
	_ =	sdelay $0x3  }
0x96: {  	_ =	strace s3  }
0x97: {  	_ =	strace $0x8FFFFFFF  }
0x98: {  	s19 =	sld [smem:$0x3FDB];
	_ =	sdelay $0x1  }
0x99: {  	s4 =	simm.s32 $_scs_section_size  }
0x9a: {  	s5 =	simm.s32 $_size__tile_overlayer_lowered;
	s6 =	simm.s32 $_tile_overlayer_lowered  }
0x9b: {  	s22 =	simm.s32 $0x1BFF;
	s21 =	sshll.u32 s6, $0x1;
	s3 =	sadd.s32 s4, s19  }
0x9c: {  	s7 =	simm.s32 $0x0;
	s20 =	sshll.u32 s5, $0x1;
	s5 =	sadd.s32 s21, s3  }
0x9d: {  	[timem:s7], [sflag:s22] =	dma.local [hbm:s5], s20  }
0x9e: {  	_ =	swait.ge [sflag:s22], s20  }
0x9f: {  	s4 =	ssub.s32 $0x0, s20;
	[sflag:s22] =	ssyncset.done $0x0  }
0xa0: {  	[sflag:s22] =	ssyncadd.s32 s4;
	_ =	sdelay $0x1  }
0xa1: {  	s23 =	simm.s32 $0x1B8B  }
0xa2: {  	_ =	swait.ge [sflag:s23], $0x1  }
0xa3: {  	[sflag:s23] =	ssyncset.done $0x0  }
0xa4: {  	s25 =	simm.s32 $0x1B8E;
	s24 =	sld [smem:$0x3FFE];
	[sflag:s23] =	ssyncadd.s32 $0xFFFFFFFF  }
0xa5: {  	s26 =	simm.s32 $execute0_lowered;
	[smem:$0x3FD2] =	sst s25  }
0xa6: {  	s5 =	sshll.u32 s26, $0x1;
	_ =	strace $0x80000046;
	[dreg:$0x1] =	wrdreg $0xFFFFFFFF  }
0xa7: {  	s28 =	simm.s32 $_size_execute0_lowered;
	s3 =	sadd.s32 s3, s5;
	[dreg:$0x0] =	wrdreg $0x0  }
0xa8: {  	s5 =	sshll.u32 s28, $0x1;
	[dreg:$0x2] =	wrdreg s3  }
0xa9: {  	[dreg:$0x3] =	wrdreg s5  }
0xaa: {  	[dreg:$0x4] =	wrdreg $0xC0  }
0xab: {  	_ =	task [dreg:s7], $0x5FFFF  }
0xac: {  	[dreg:$0x1] =	wrdreg $0xFFFFFFFF  }
0xad: {  	[dreg:$0x0] =	wrdreg $0x60  }
0xae: {  	[dreg:$0x2] =	wrdreg s24  }
0xaf: {  	[dreg:$0x3] =	wrdreg s2  }
0xb0: {  	[dreg:$0x4] =	wrdreg $0xF1000  }
0xb1: {  	[dreg:$0x5] =	wrdreg $0x140000  }
0xb2: {  	[dreg:$0x6] =	wrdreg $0x9  }
0xb3: {  	_ =	task.clear_ibuf [dreg:s7], $0x7FFFF;
	_ =	strace $0x90000046  }
0xb4: {  	s29 =	simm.s32 $0x9;
	_ =	strace $0x80000048  }
0xb5: {  	_ =	swait.ge [sflag:s29], $0x1  }
0xb6: {  	[sflag:s29] =	ssyncadd.s32 $0xFFFFFFFF  }
0xb7: {  	_ =	strace $0x90000048  }
0xb8: {  	_ =	sfence  }
0xb9: {  	s30 =	sld [smem:$0x0];
	_ =	sdelay $0x2  }
0xba: {  	s31 =	sshll.u32 s1, $0xD;
	s1 =	sshrl.u32 s1, $0x2  }
0xbb: {  	s3 =	sand.u32 $0x4000, s31;
	s1 =	sadd.s32 s1, s30  }
0xbc: {  	s0 =	sor.u32 s3, s0;
	s1 =	sshll.u32 s1, $0x11  }
0xbd: {  	s0 =	sor.u32 s1, s0  }
0xbe: {  	s0 =	sadd.s32 $0x8F2B, s0  }
0xbf: {  	[sflag:s0] =	ssyncadd.remote.s32 $0x1  }
0xc0: {  	_ =	sfence.sel $0xFFFF  }
0xc1: {  	[dreg:$0x0] =	wrdreg $0xFFFFFFFF;
	(pc) =	sbr.abs _section_cstart, $3  }
0xc2: {  	[dreg:$0x1] =	wrdreg $0xFFFFFFFF  }
0xc3: {  	_ =	task.clear_ibuf [dreg:s7], $0x2FFFF;
	_ =	strace $0x9FFFFFFF  }
0xc4: {  	(tm) =	ssettm $0x7FFFFFFF  }
0xc5: {  	_ =	shalt  }
tec
execute0_lowered:
.L_overlay_start_1:
0x0: {  	(tag) =	ssettag $0x1  }
0x1: {  	s0 =	rddreg [dreg:$0x0]  }
0x2: {  	s1 =	rddreg [dreg:$0x1]  }
0x3: {  	s2 =	rddreg [dreg:$0x2]  }
0x4: {  	s3 =	rddreg [dreg:$0x3];
	s18 =	stileid.u32;
	s4 =	simm.s32 $0x0  }
0x5: {  	s5 =	srdreg.scid;
	s17 =	simm.s32 $0xED00;
	s21 =	simm.s32 $0x80  }
0x6: {  	s23 =	simm.s32 $0xAD00;
	s24 =	simm.s32 $0x100;
	s25 =	simm.s32 $0xBD00  }
0x7: {  	s28 =	simm.s32 $0x2;
	s29 =	simm.s32 $0x3;
	s7 =	smul.u32 $0x9D0, s18  }
0x8: {  	s30 =	simm.s32 $0x0;
	[smem:$0x7FF] =	sst s4;
	s12 =	smul.u32 $0x13C0, s18  }
0x9: {  	s5 =	sand.u32 $0x1, s5;
	s6 =	sadd.s32 $0x1C00, s0;
	s13 =	smul.u32 $0x9E00, s18  }
0xa: {  	s8 =	sadd.s32 $0x29400, s0;
	s31 =	sshll.u32 s18, $0x6;
	s9 =	smul.u32 $0x13C00, s5  }
0xb: {  	_ =	strace $0x80000047;
	s14 =	ssub.s32 $0x2, s5;
	s15 =	smul.u32 $0x9E000, s5  }
0xc: {  	s18 =	sor.u32 $0x1C04, s31;
	s11 =	sadd.s32 s7, s0;
	s7 =	sadd.s32 $0x1200, s0  }
0xd: {  	s26 =	sshrl.u32 s14, $0x1;
	s20 =	sadd.s32 s12, s3;
	s9 =	sadd.s32 s12, s9  }
0xe: {  	s14 =	ssub.s32 s14, s26;
	s15 =	sadd.s32 s13, s15;
	s13 =	sshrl.u32 s13, $0x1  }
.Ltmp0:
0xf: {  	s20 =	sshrl.u32 s20, $0x3;
	s26 =	simm.s32 $0x1;
	(pc) =	sbr.rel .LBB2_1-.Ltmp0, $4  }
0x10: {  	s10 =	sshrl.u32 s9, $0x3;
	s9 =	sadd.s32 $0x29200, s0;
	s15 =	sshrl.u32 s15, $0x4  }
0x11: {  	s16 =	sadd.s32 s13, s2;
	s14 =	smax.u32 s14, $0x1;
	s0 =	sadd.s32 s10, s0  }
0x12: {  	s10 =	sadd.s32 $0x1F400, s11;
	s11 =	sadd.s32 $0x15600, s11;
	s12 =	sadd.s32 s1, s15  }
0x13: {  	v0 =	vmov s5;
	s15 =	simm.s32 $0x4;
	s19 =	sshrl.u32 s16, $0x3;
	s13 =	sadd.s32 $0x29800, s0  }
.LBB2_11:
0x14: {  	_ =	swait.ge [sflag:s28], $0x1000  }
0x15: {  	[sflag:s28] =	ssyncset.done $0x0  }
0x16: {  	[sflag:s28] =	ssyncadd.s32 $0xFFFFF000  }
0x17: {  	_ =	swait.ge [sflag:s28], $0x1000  }
0x18: {  	[sflag:s28] =	ssyncset.done $0x0  }
0x19: {  	[sflag:s28] =	ssyncadd.s32 $0xFFFFF000  }
0x1a: {  	_ =	swait.ge [sflag:s29], $0x400  }
0x1b: {  	[sflag:s29] =	ssyncset.done $0x0  }
0x1c: {  	[sflag:s29] =	ssyncadd.s32 $0xFFFFFC00  }
0x1d: {  	[bflag:$0x0] =	sbarrier.arrive $0xFFFF  }
0x1e: {  	[hbm:s12], [sflag:s18] =	dma.local [spmem:s19], $0x9E0  }
0x1f: {  	s30 =	sadd.s32 $0x1, s30;
	_ =	swait.ge [sflag:s15], $0x9E0  }
0x20: {  	p0 =	sne.s32 s30, s14;
	[sflag:s15] =	ssyncset.done $0x0  }
.Ltmp1:
0x21: {  	[sflag:s15] =	ssyncadd.s32 $0xFFFFF620;
	(pc) =	sbr.rel @!p0 .LBB2_12-.Ltmp1, $4  }
0x22: {  	[hbm:s13], [sflag:s18] =	dma.local [spmem:s20], $0x278  }
0x23: {  	_ =	swait.ge [sflag:s15], $0x278  }
0x24: {  	[sflag:s15] =	ssyncset.done $0x0  }
0x25: {  	[sflag:s15] =	ssyncadd.s32 $0xFFFFFD88  }
.LBB2_1:
0x26: {  	[tilespmem:s4], [sflag:$0x4] =	stream.linear.gather [hbm4b:s10+s4], $0x4E80, $0x38;
	[tilespmem:$0x153C0] =	vst v63  }
0x27: {  	_ =	swait.ge [sflag:s15], $0x4E80  }
0x28: {  	[sflag:s15] =	ssyncset.done $0x0  }
0x29: {  	s0 =	simm.s32 $0x4E80;
	[sflag:s15] =	ssyncadd.s32 $0xFFFFB180  }
0x2a: {  	[tilespmem:s0], [sflag:$0x4] =	stream.linear.gather [hbm4b:s11+s4], $0x4E80, $0x38;
	[tilespmem:$0x153C0] =	vst v63  }
0x2b: {  	_ =	swait.ge [sflag:s15], $0x4E80  }
0x2c: {  	[sflag:s15] =	ssyncset.done $0x0  }
0x2d: {  	s31 =	simm.s32 $0x0;
	[sflag:s15] =	ssyncadd.s32 $0xFFFFB180  }
0x2e: {  	v2 =	vld [tilespmem:s31+$0x0]  }
0x2f: {  	v3 =	vld [tilespmem:s31+$0x10]  }
0x30: {  	v5 =	vld [tilespmem:s31+$0x20]  }
0x31: {  	v4 =	vld [tilespmem:s31+$0x30]  }
0x32: {  	v1 =	vld [tilespmem:s31+$0x40]  }
0x33: {  	v6 =	vshll.u32 v2, $0x1;
	v2 =	vld [tilespmem:s31+$0x50]  }
0x34: {  	s0 =	simm.s32 $0x200;
	v7 =	vshll.u32 v3, $0x1;
	v3 =	vld [tilespmem:s31+$0x60];
	v6 =	vor.u32 v0, v6  }
.LBB2_2:
0x35: {  	s1 =	sshra.s32 s0, $0x2;
	p0 =	sne.s32 s0, $0x13800;
	[tilespmem:s31+$0x0] =	vst v6;
	v6 =	vor.u32 v0, v7;
	v5 =	vshll.u32 v5, $0x1;
	v7 =	vld [tilespmem:s31+$0x70]  }
0x36: {  	v8 =	vld [tilespmem:s1+$0x0];
	[tilespmem:s31+$0x10] =	vst v6;
	v5 =	vor.u32 v0, v5;
	v4 =	vshll.u32 v4, $0x1  }
0x37: {  	v9 =	vld [tilespmem:s1+$0x10];
	[tilespmem:s31+$0x20] =	vst v5;
	v4 =	vor.u32 v0, v4;
	v1 =	vshll.u32 v1, $0x1  }
.Ltmp2:
0x38: {  	v5 =	vld [tilespmem:s1+$0x20];
	[tilespmem:s31+$0x30] =	vst v4;
	v1 =	vor.u32 v0, v1;
	v2 =	vshll.u32 v2, $0x1;
	(pc) =	sbr.rel @p0 .LBB2_2-.Ltmp2, $4  }
0x39: {  	v4 =	vld [tilespmem:s1+$0x30];
	[tilespmem:s31+$0x40] =	vst v1;
	v2 =	vor.u32 v0, v2;
	v3 =	vshll.u32 v3, $0x1  }
0x3a: {  	v1 =	vld [tilespmem:s1+$0x40];
	[tilespmem:s31+$0x50] =	vst v2;
	v3 =	vor.u32 v0, v3;
	v6 =	vshll.u32 v7, $0x1  }
0x3b: {  	v7 =	vshll.u32 v8, $0x1;
	v2 =	vld [tilespmem:s1+$0x50];
	[tilespmem:s31+$0x60] =	vst v3;
	v8 =	vor.u32 v0, v6  }
0x3c: {  	s0 =	sadd.s32 $0x200, s0;
	v6 =	vor.u32 v0, v7;
	v7 =	vshll.u32 v9, $0x1;
	v3 =	vld [tilespmem:s1+$0x60];
	[tilespmem:s31+$0x70] =	vst v8;
	s31 =	smov.u32 s1  }
0x3d: {  	[tilespmem:s31+$0x0] =	vst v6;
	v62 =	vor.u32 v0, v7;
	v5 =	vshll.u32 v5, $0x1;
	v63 =	vld [tilespmem:s31+$0x70]  }
0x3e: {  	[tilespmem:s31+$0x10] =	vst v62;
	v5 =	vor.u32 v0, v5;
	v4 =	vshll.u32 v4, $0x1  }
0x3f: {  	[tilespmem:s31+$0x20] =	vst v5;
	v4 =	vor.u32 v0, v4;
	v1 =	vshll.u32 v1, $0x1  }
0x40: {  	[tilespmem:s31+$0x30] =	vst v4;
	v1 =	vor.u32 v0, v1;
	v2 =	vshll.u32 v2, $0x1  }
0x41: {  	[tilespmem:s31+$0x40] =	vst v1;
	v1 =	vor.u32 v0, v2;
	v2 =	vshll.u32 v3, $0x1  }
0x42: {  	[tilespmem:s31+$0x50] =	vst v1;
	v1 =	vor.u32 v0, v2;
	v2 =	vshll.u32 v63, $0x1  }
0x43: {  	[tilespmem:s31+$0x60] =	vst v1;
	v1 =	vor.u32 v0, v2  }
0x44: {  	[tilespmem:s31+$0x70] =	vst v1;
	s31 =	simm.s32 $0x0  }
0x45: {  	[tilespmem:s17], [sflag:$0x4] =	stream.linear.gather [hbm4b:s9+s31], $0x400, $0x38;
	[tilespmem:$0x153C0] =	vst v63  }
0x46: {  	_ =	swait.ge [sflag:s15], $0x400  }
0x47: {  	[sflag:s15] =	ssyncset.done $0x0  }
0x48: {  	[sflag:s15] =	ssyncadd.s32 $0xFFFFFC00  }
0x49: {  	[spmem:s19], [sflag:s18] =	dma.local [hbm:s7], $0x9E0  }
0x4a: {  	_ =	swait.ge [sflag:s15], $0x9E0  }
0x4b: {  	[sflag:s15] =	ssyncset.done $0x0  }
0x4c: {  	[sflag:s15] =	ssyncadd.s32 $0xFFFFF620  }
0x4d: {  	[spmem:s20], [sflag:s18] =	dma.local [hbm:s8], $0x278  }
0x4e: {  	_ =	swait.ge [sflag:s15], $0x278  }
0x4f: {  	[sflag:s15] =	ssyncset.done $0x0  }
0x50: {  	[sflag:s15] =	ssyncadd.s32 $0xFFFFFD88  }
0x51: {  	s0 =	simm.s32 $0x9D00;
	[bflag:$0x0] =	sbarrier.arrive $0xFFFF  }
0x52: {  	[tilespmem:s0], [sflag:$0x1] =	stream.indirect.gather [hbm4b:s6+s21], $0x20, s31, s21, $0xb8;
	[tilespmem:$0x153C0] =	vst v63  }
.Ltmp3:
0x53: {  	_ = 	snop;
	(pc) =	sbr.rel .LBB2_4-.Ltmp3, $4  }
0x54: {  	_ = 	snop  }
0x55: {  	[tilespmem:s23], [sflag:$0x1] =	stream.indirect.gather [hbm4b:s6+s21], $0x20, s21, s21, $0xb8;
	[tilespmem:$0x153C0] =	vst v63  }
0x56: {  	s1 =	simm.s32 $0x180;
	s0 =	simm.s32 $0x4E80  }
0x57: {  	[tilespmem:s25], [sflag:$0x1] =	stream.indirect.gather [hbm4b:s6+s21], $0x20, s24, s21, $0xb8;
	[tilespmem:$0x153C0] =	vst v63  }
.LBB2_9:
0x58: {  	s16 =	sadd.s32 $0x3, s31  }
0x59: {  	s22 =	smul.u32 $0xCD, s16;
	_ =	sdelay $0x1  }
0x5a: {  	s22 =	sshrl.u32 s22, $0xA  }
0x5b: {  	s22 =	sand.u32 $0x3F, s22  }
0x5c: {  	s22 =	smul.u32 $0x5, s22;
	_ =	sdelay $0x1  }
0x5d: {  	s16 =	ssub.s32 s16, s22  }
0x5e: {  	s16 =	sand.u32 $0xFF, s16  }
0x5f: {  	s16 =	sshll.u32 s16, $0xC  }
0x60: {  	s16 =	sadd.s32 $0x9D00, s16  }
0x61: {  	[tilespmem:s16], [sflag:$0x1] =	stream.indirect.gather [hbm4b:s6+s21], $0x20, s1, s21, $0xb8;
	[tilespmem:$0x153C0] =	vst v63  }
.LBB2_10:
0x62: {  	s31 =	sadd.s32 $0x1, s31  }
0x63: {  	p0 =	sne.s32 s31, $0x9D  }
.Ltmp4:
0x64: {  	_ = 	snop;
	(pc) =	sbr.rel @!p0 .LBB2_11-.Ltmp4, $2  }
0x65: {  	_ =	sdelay $0x2  }
0x66: {  	s0 =	sadd.s32 $0x80, s0;
	s1 =	sadd.s32 $0x80, s1  }
.LBB2_4:
0x67: {  	s16 =	smul.u32 $0xCD, s31;
	_ =	sdelay $0x1  }
0x68: {  	s16 =	sshrl.u32 s16, $0xA  }
0x69: {  	s16 =	sand.u32 $0x3F, s16  }
0x6a: {  	p0 =	slt.u32 s31, $0x2;
	s16 =	smul.u32 $0x5, s16  }
.Ltmp5:
0x6b: {  	_ = 	snop;
	(pc) =	sbr.rel @p0 .LBB2_13-.Ltmp5, $4  }
0x6c: {  	s16 =	ssub.s32 s31, s16  }
0x6d: {  	_ =	swait.ge [sflag:s26], $0x1000;
	s16 =	sand.u32 $0xFF, s16  }
0x6e: {  	[sflag:s26] =	ssyncset.done $0x0;
	s16 =	sshll.u32 s16, $0xC  }
0x6f: {  	[sflag:s26] =	ssyncadd.s32 $0xFFFFF000;
	s16 =	sadd.s32 $0x9D00, s16  }
0x70: {  	s22 =	sand.u32 $0x1, s31  }
0x71: {  	p0 =	seq.s32 s22, s5  }
.Ltmp6:
0x72: {  	_ = 	snop;
	(pc) =	sbr.rel @!p0 .LBB2_8-.Ltmp6, $4  }
0x73: {  	_ =	swait.ge [sflag:s28], $0x1000  }
0x74: {  	[sflag:s28] =	ssyncset.done $0x0  }
0x75: {  	[sflag:s28] =	ssyncadd.s32 $0xFFFFF000  }
0x76: {  	[spmem:s2] =	stream.indirect.scatter.add.bf16 [tilespmem:s16], [sflag:$0x2], $0x20, s0, s21, $0xb8;
	[tilespmem:$0x153C0] =	vst v63  }
.Ltmp7:
0x77: {  	(pc) =	sbr.rel .LBB2_7-.Ltmp7, $4  }
0x78: {  	_ = 	snop  }
0x79: {  	s16 =	sshll.u32 s31, $0x7;
	_ =	swait.ge [sflag:s29], $0x400  }
0x7a: {  	s16 =	sand.u32 $0x3FFFFF80, s16;
	[sflag:s29] =	ssyncset.done $0x0  }
0x7b: {  	s16 =	sadd.s32 $0x4E80, s16;
	[sflag:s29] =	ssyncadd.s32 $0xFFFFFC00  }
.LBB2_13:
0x7c: {  	p0 =	seq.s32 s5, s31  }
.Ltmp8:
0x7d: {  	_ = 	snop;
	(pc) =	sbr.rel @!p0 .LBB2_9-.Ltmp8, $3  }
0x7e: {  	_ =	sdelay $0x1  }
0x7f: {  	[spmem:s2] =	stream.indirect.scatter.add.bf16 [tilespmem:s16], [sflag:$0x2], $0x20, s0, s21, $0xb8;
	[tilespmem:$0x153C0] =	vst v63  }
0x80: {  	s16 =	smov.u32 s0  }
.LBB2_7:
0x81: {  	[spmem:s3] =	stream.indirect.scatter.add.f32 [tilespmem:s17], [sflag:$0x3], $0x8, s16, s21, $0xb8;
	[tilespmem:$0x153C0] =	vst v63  }
.LBB2_8:
0x82: {  	p0 =	sgt.u32 s31, $0x99  }
.Ltmp9:
0x83: {  	_ = 	snop;
	(pc) =	sbr.rel @p0 .LBB2_10-.Ltmp9, $4  }
.Ltmp10:
0x84: {  	_ = 	snop;
	(pc) =	sbr.rel @!p0 .LBB2_9-.Ltmp10, $4  }
0x85: {  	_ = 	snop  }
0x86: {  	_ = 	snop  }
0x87: {  	_ = 	snop  }
0x88: {  	_ = 	snop  }
.LBB2_12:
0x89: {  	_ =	sfence.sel $0x180000  }
0x8a: {  	[bflag:$0x0] =	sbarrier.arrive $0xFFFF  }
0x8b: {  	_ =	strace $0x90000047  }
0x8c: {  	s0 =	stileid.u32;
	[bflag:$0x2] =	sbarrier.arrive $0xFFFF  }
0x8d: {  	p0 =	sne.s32 s0, $0x0;
	s0 =	rddreg [dreg:$0x4]  }
0x8e: {  	s0 =	sadd.s32 @!p0 $0x100000, s0  }
0x8f: {  	[sflag:s0] =	ssyncadd.tile.s32 @!p0 $0x1;
	_ =	shalt  }
.Lfunc_end2:
_tile_overlayer_lowered:
.L_overlay_start_2:
0x90: {  	(tag) =	ssettag $0x2  }
0x91: {  	s0 =	rddreg [dreg:$0x0];
	s2 =	stileid.u32  }
0x92: {  	s1 =	rddreg [dreg:$0x1];
	p0 =	sne.s32 s2, $0x0  }
0x93: {  	s3 =	rddreg [dreg:$0x2];
	[bflag:$0x3] =	sbarrier.arrive $0xFFFF;
	s2 =	simm.s32 @!p0 $0x1C04  }
0x94: {  	[timem:s3], [sflag:s2] =	dma.local @!p0 [hbm:s0], s1  }
0x95: {  	s0 =	simm.s32 @!p0 $0x4  }
0x96: {  	_ =	swait.ge @!p0 [sflag:s0], s1  }
0x97: {  	s1 =	ssub.s32 @!p0 $0x0, s1;
	[sflag:s0] =	ssyncset.done @!p0 $0x0  }
0x98: {  	[sflag:s0] =	ssyncadd.s32 @!p0 s1  }
0x99: {  	[bflag:$0x3] =	sbarrier.arrive $0xFFFF  }
0x9a: {  	_ =	shalt  }

</sc_bundles>
